<compile_context>
chip_gen: v7x
topology: tpu7x:2x2x1
jax: 0.10.2.dev20260603
libtpu: 0.0.44.dev20260713+nightly
codegen_flags: <defaults>
</compile_context>

<pallas_src>
import jax
import jax.numpy as jnp
import numpy as np
from jax import lax
from jax.experimental import pallas as pl
from jax.experimental.pallas import tpu as pltpu
from jax.experimental.pallas import tpu_sc as plsc

PATCH = 12
K_NEIGH = 3
NC = 2
NS = 16

_GATHER_DNUMS = lax.GatherDimensionNumbers(
    offset_dims=(), collapsed_slice_dims=(0,), start_index_map=(0,))


def _shuffle_reduce(v, combine):
    lane = lax.iota(jnp.int32, 16)
    for step in (1, 2, 4, 8):
        idx = jnp.bitwise_xor(lane, step).reshape(16, 1)
        peer = lax.gather(v, idx, _GATHER_DNUMS, slice_sizes=(1,),
                          mode=lax.GatherScatterMode.PROMISE_IN_BOUNDS)
        v = combine(v, peer)
    return v


def _sc_body(adj_hbm, g_hbm, samp_hbm, a_v, g_v, samp_v):
    n_nodes = a_v.shape[0] // 3
    wid = lax.axis_index("s") * NC + lax.axis_index("c")

    n = wid
    pltpu.sync_copy(adj_hbm.at[pl.ds(n * 3 * n_nodes, 3 * n_nodes)],
                    a_v.at[pl.ds(0, 3 * n_nodes)])
    pltpu.sync_copy(g_hbm.at[pl.ds(n * K_NEIGH * n_nodes, K_NEIGH * n_nodes)],
                    g_v.at[pl.ds(0, K_NEIGH * n_nodes)])

    halves = n_nodes // 16
    a_h = []
    for h in range(halves):
        u = a_v[pl.ds(16 * h, 16)]
        am = a_v[pl.ds(n_nodes + 16 * h, 16)]
        av = a_v[pl.ds(2 * n_nodes + 16 * h, 16)]
        a_h.append(u * am + av)

    lane = lax.iota(jnp.int32, 16)
    sampvec = jnp.zeros((16,), jnp.int32)
    for j in range(K_NEIGH):
        w_h = [a_h[h] * jnp.exp(g_v[pl.ds(j * n_nodes + 16 * h, 16)])
               for h in range(halves)]
        m = w_h[0]
        for h in range(1, halves):
            m = jnp.maximum(m, w_h[h])
        m = _shuffle_reduce(m, jnp.maximum)
        cand = jnp.full((16,), 2 * n_nodes, jnp.int32)
        for h in range(halves):
            cand = jnp.minimum(
                cand, jnp.where(w_h[h] == m, lane + 16 * h, 2 * n_nodes))
        idx = _shuffle_reduce(cand, jnp.minimum)
        sampvec = jnp.where(lane == j, idx, sampvec)
    samp_v[...] = sampvec
    pltpu.sync_copy(samp_v, samp_hbm.at[pl.ds(n * 16, 16)])


LPAD = 16


def _tc_body(samp_ref, ht_ref, w_ref, b_ref, out_ref):
    n_nodes = ht_ref.shape[1]
    for n in range(n_nodes):
        rows = [ht_ref[0, n]]
        for j in range(K_NEIGH):
            s = samp_ref[n * 16 + j]
            rows.append(ht_ref[0, s])
        x = jnp.concatenate(rows, axis=0)
        acc = jax.lax.dot_general(
            x, w_ref[...],
            dimension_numbers=(((0,), (1,)), ((), ())),
            preferred_element_type=jnp.float32,
        )
        out_ref[0, n] = acc + b_ref[...]


def kernel(long_term_history, W, b, adj_mx, adj_u, adj_v):
    Bsz, N, C, T = long_term_history.shape
    P = T // PATCH
    E = W.shape[0]

    hist4 = long_term_history.reshape(Bsz, N, P, PATCH)
    ht = jnp.transpose(hist4, (0, 1, 3, 2))
    ht = jnp.pad(ht, ((0, 0), (0, 0), (0, LPAD - PATCH), (0, 0)))

    gumb = jax.random.gumbel(jax.random.key(42), (K_NEIGH, N, N), jnp.float32)
    gumb = gumb.transpose(1, 0, 2).reshape(-1)
    adj_stack = jnp.stack([adj_u, adj_mx, adj_v], axis=1).reshape(-1)

    mesh = plsc.VectorSubcoreMesh(core_axis_name="c", subcore_axis_name="s")
    sc_fn = pl.kernel(
        _sc_body,
        out_type=[jax.ShapeDtypeStruct((N * 16,), jnp.int32)],
        mesh=mesh,
        scratch_types=[
            pltpu.VMEM((3 * N,), jnp.float32),
            pltpu.VMEM((K_NEIGH * N,), jnp.float32),
            pltpu.VMEM((16,), jnp.int32),
        ],
    )
    (sampled,) = sc_fn(adj_stack, gumb)

    wp = jnp.pad(W, ((0, 0), (0, 0), (0, LPAD - PATCH)))
    wp = wp.reshape(E, (K_NEIGH + 1) * LPAD)
    b2 = b.reshape(1, E)

    out_t = pl.pallas_call(
        _tc_body,
        grid=(Bsz,),
        in_specs=[
            pl.BlockSpec(memory_space=pltpu.SMEM),
            pl.BlockSpec((1, N, LPAD, P), lambda i: (i, 0, 0, 0)),
            pl.BlockSpec((E, (K_NEIGH + 1) * LPAD), lambda i: (0, 0)),
            pl.BlockSpec((1, E), lambda i: (0, 0)),
        ],
        out_specs=pl.BlockSpec((1, N, P, E), lambda i: (i, 0, 0, 0)),
        out_shape=jax.ShapeDtypeStruct((Bsz, N, P, E), jnp.float32),
        compiler_params=pltpu.CompilerParams(
            dimension_semantics=("parallel",),
        ),
    )(sampled, ht, wp, b2)
    return jnp.transpose(out_t, (0, 1, 3, 2))

# --- scband reference (transcript-rebuilt; emitter-appended) ---
"""Pipeline reference for scband-stpatch-embedding-81990925681100 (READ-ONLY COPY).

The authoritative reference and input builder live on the scoring server;
editing this copy changes nothing except your own understanding.
"""

import jax, jax.numpy as jnp
import numpy as np

PATCH = 12
K_NEIGH = 3
EMBED = 96
N_NODES = 32
C_IN = 1
B = 32
T = 2016


def setup_inputs(seed: int = 0) -> dict:
    key = jax.random.key(seed)
    k1, k2, k3 = jax.random.split(key, 3)
    long_term_history = jax.random.normal(k1, (B, N_NODES, C_IN, T), dtype=jnp.float32)
    fan_in = C_IN * (K_NEIGH + 1) * PATCH
    W = jax.random.normal(k2, (EMBED, C_IN * (K_NEIGH + 1), PATCH), dtype=jnp.float32) / np.sqrt(fan_in)
    b = jax.random.normal(k3, (EMBED,), dtype=jnp.float32) * 0.01
    adj_mx = jnp.ones((N_NODES, N_NODES), dtype=jnp.float32)
    adj_u = jnp.ones((N_NODES, N_NODES), dtype=jnp.float32)
    adj_v = jnp.zeros((N_NODES, N_NODES), dtype=jnp.float32)
    return {"long_term_history": long_term_history, "W": W, "b": b,
            "adj_mx": adj_mx, "adj_u": adj_u, "adj_v": adj_v}


def reference(long_term_history, W, b, adj_mx, adj_u, adj_v):
    Bsz, N, C, T_ = long_term_history.shape
    E = W.shape[0]
    # adjusted adjacency (u * A + v)
    adjusted = adj_u * adj_mx + adj_v
    # multinomial neighbor sampling (k samples per node, with replacement)
    probs = adjusted / jnp.sum(adjusted, axis=-1, keepdims=True)
    logits = jnp.log(probs)
    skey = jax.random.key(42)
    sampled = jax.random.categorical(skey, logits, axis=-1, shape=(K_NEIGH, N)).T  # [N, k]
    # gather neighbor histories: [B, N, k, C, T] -> [B, N, k*C, T]
    neigh = long_term_history[:, sampled]
    neigh = neigh.reshape(Bsz, N, K_NEIGH * C, T_)
    # concat self first, then neighbors (matches torch.cat((self, neighbors), dim=1))
    combined = jnp.concatenate([long_term_history, neigh], axis=2)  # [B, N, C*(k+1), T]
    # conv2d with kernel (patch,1), stride (patch,1) == non-overlapping patch projection
    P = T_ // PATCH
    x = combined.reshape(Bsz * N, C * (K_NEIGH + 1), P, PATCH)
    out = jnp.einsum('bcpl,ecl->bep', x, W) + b[None, :, None]
    out = out.reshape(Bsz, N, E, P)
    return out

if __name__ == "__main__":
    import jax
    _d = setup_inputs()
    print(jax.jit(kernel)(*tuple(_d.values())))

</pallas_src>

<mosaic_0001>
#map = affine_map<(d0, d1) -> (0)>
module attributes {stable_mosaic.version = 14 : i64} {
  func.func @_sc_body(%arg0: i32, %arg1: i32, %arg2: memref<3072xf32, #tpu.memory_space<hbm>>, %arg3: memref<3072xf32, #tpu.memory_space<hbm>>, %arg4: memref<512xi32, #tpu.memory_space<hbm>>, %arg5: memref<96xf32, #tpu.memory_space<vmem>>, %arg6: memref<96xf32, #tpu.memory_space<vmem>>, %arg7: memref<16xi32, #tpu.memory_space<vmem>>) attributes {dimension_semantics = [#tpu.dimension_semantics<core_parallel>, #tpu.dimension_semantics<subcore_parallel>], iteration_bounds = array<i64: 2, 16>, scalar_prefetch = 0 : i64, scratch_operands = 3 : i64, tpu.core_type = #tpu.core_type<sc_vector_subcore>, window_params = [{transform_indices = #map}, {transform_indices = #map}, {transform_indices = #map}]} {
    %mul3A = arith.constant 2 : i32
    %mul3A_0 = arith.muli %arg1, %mul3A : i32
    %add3A = arith.addi %mul3A_0, %arg0 : i32
    %mul3A_1 = arith.constant 3 : i32
    %mul3A_2 = arith.muli %add3A, %mul3A_1 : i32
    %mul3A_3 = arith.constant 32 : i32
    %mul3A_4 = arith.muli %mul3A_2, %mul3A_3 : i32
    "tpu.region"() ({
      %run_scoped3A = tpu.sem_alloc : memref<!tpu.dma_semaphore, #tpu.memory_space<semaphore_mem>>
      %dma_start3A = arith.constant 0 : i32
      %dma_start3A_300 = tpu.memref_slice %arg5[%dma_start3A] : memref<96xf32, #tpu.memory_space<vmem>> -> memref<96xf32, #tpu.memory_space<vmem>>
      %dma_start3A_301 = tpu.memref_slice %arg2[%mul3A_4] : memref<3072xf32, #tpu.memory_space<hbm>> -> memref<96xf32, #tpu.memory_space<hbm>>
      %dma_start3A_302 = arith.constant 0 : i32
      %dma_start3A_303 = tpu.memref_slice %arg5[%dma_start3A_302] : memref<96xf32, #tpu.memory_space<vmem>> -> memref<96xf32, #tpu.memory_space<vmem>>
      %dma_start3A_304 = tpu.memref_slice %arg2[%mul3A_4] : memref<3072xf32, #tpu.memory_space<hbm>> -> memref<96xf32, #tpu.memory_space<hbm>>
      tpu.enqueue_dma source(%dma_start3A_304 : memref<96xf32, #tpu.memory_space<hbm>>) target(%dma_start3A_303 : memref<96xf32, #tpu.memory_space<vmem>>) target_semaphore(%run_scoped3A : memref<!tpu.dma_semaphore, #tpu.memory_space<semaphore_mem>>)
      %dma_wait3A = arith.constant 0 : i32
      %dma_wait3A_305 = tpu.memref_slice %arg5[%dma_wait3A] : memref<96xf32, #tpu.memory_space<vmem>> -> memref<96xf32, #tpu.memory_space<vmem>>
      %dma_wait3A_306 = tpu.memref_slice %arg2[%mul3A_4] : memref<3072xf32, #tpu.memory_space<hbm>> -> memref<96xf32, #tpu.memory_space<hbm>>
      %dma_wait3A_307 = arith.constant 0 : i32
      %dma_wait3A_308 = tpu.memref_slice %arg5[%dma_wait3A_307] : memref<96xf32, #tpu.memory_space<vmem>> -> memref<96xf32, #tpu.memory_space<vmem>>
      %dma_wait3A_309 = tpu.memref_slice %arg2[%mul3A_4] : memref<3072xf32, #tpu.memory_space<hbm>> -> memref<96xf32, #tpu.memory_space<hbm>>
      tpu.wait_dma2 semaphore(%run_scoped3A : memref<!tpu.dma_semaphore, #tpu.memory_space<semaphore_mem>>) src(%dma_wait3A_309 : memref<96xf32, #tpu.memory_space<hbm>>) dst(%dma_wait3A_308 : memref<96xf32, #tpu.memory_space<vmem>>)
      tpu.yield
    }) : () -> ()
    %mul3A_5 = arith.constant 3 : i32
    %mul3A_6 = arith.muli %add3A, %mul3A_5 : i32
    %mul3A_7 = arith.constant 32 : i32
    %mul3A_8 = arith.muli %mul3A_6, %mul3A_7 : i32
    "tpu.region"() ({
      %run_scoped3A = tpu.sem_alloc : memref<!tpu.dma_semaphore, #tpu.memory_space<semaphore_mem>>
      %dma_start3A = arith.constant 0 : i32
      %dma_start3A_300 = tpu.memref_slice %arg6[%dma_start3A] : memref<96xf32, #tpu.memory_space<vmem>> -> memref<96xf32, #tpu.memory_space<vmem>>
      %dma_start3A_301 = tpu.memref_slice %arg3[%mul3A_8] : memref<3072xf32, #tpu.memory_space<hbm>> -> memref<96xf32, #tpu.memory_space<hbm>>
      %dma_start3A_302 = arith.constant 0 : i32
      %dma_start3A_303 = tpu.memref_slice %arg6[%dma_start3A_302] : memref<96xf32, #tpu.memory_space<vmem>> -> memref<96xf32, #tpu.memory_space<vmem>>
      %dma_start3A_304 = tpu.memref_slice %arg3[%mul3A_8] : memref<3072xf32, #tpu.memory_space<hbm>> -> memref<96xf32, #tpu.memory_space<hbm>>
      tpu.enqueue_dma source(%dma_start3A_304 : memref<96xf32, #tpu.memory_space<hbm>>) target(%dma_start3A_303 : memref<96xf32, #tpu.memory_space<vmem>>) target_semaphore(%run_scoped3A : memref<!tpu.dma_semaphore, #tpu.memory_space<semaphore_mem>>)
      %dma_wait3A = arith.constant 0 : i32
      %dma_wait3A_305 = tpu.memref_slice %arg6[%dma_wait3A] : memref<96xf32, #tpu.memory_space<vmem>> -> memref<96xf32, #tpu.memory_space<vmem>>
      %dma_wait3A_306 = tpu.memref_slice %arg3[%mul3A_8] : memref<3072xf32, #tpu.memory_space<hbm>> -> memref<96xf32, #tpu.memory_space<hbm>>
      %dma_wait3A_307 = arith.constant 0 : i32
      %dma_wait3A_308 = tpu.memref_slice %arg6[%dma_wait3A_307] : memref<96xf32, #tpu.memory_space<vmem>> -> memref<96xf32, #tpu.memory_space<vmem>>
      %dma_wait3A_309 = tpu.memref_slice %arg3[%mul3A_8] : memref<3072xf32, #tpu.memory_space<hbm>> -> memref<96xf32, #tpu.memory_space<hbm>>
      tpu.wait_dma2 semaphore(%run_scoped3A : memref<!tpu.dma_semaphore, #tpu.memory_space<semaphore_mem>>) src(%dma_wait3A_309 : memref<96xf32, #tpu.memory_space<hbm>>) dst(%dma_wait3A_308 : memref<96xf32, #tpu.memory_space<vmem>>)
      tpu.yield
    }) : () -> ()
    %get3A = arith.constant 0 : index
    %get3A_9 = tpu.vector_load %arg5[%get3A] {strides = array<i32>} : memref<96xf32, #tpu.memory_space<vmem>>, vector<16xf32>,
    %get3A_10 = vector.shape_cast %get3A_9 : vector<16xf32> to vector<16xf32>
    %get3A_11 = arith.constant 32 : index
    %get3A_12 = tpu.vector_load %arg5[%get3A_11] {strides = array<i32>} : memref<96xf32, #tpu.memory_space<vmem>>, vector<16xf32>,
    %get3A_13 = vector.shape_cast %get3A_12 : vector<16xf32> to vector<16xf32>
    %get3A_14 = arith.constant 64 : index
    %get3A_15 = tpu.vector_load %arg5[%get3A_14] {strides = array<i32>} : memref<96xf32, #tpu.memory_space<vmem>>, vector<16xf32>,
    %get3A_16 = vector.shape_cast %get3A_15 : vector<16xf32> to vector<16xf32>
    %mul3A_17 = arith.mulf %get3A_10, %get3A_13 : vector<16xf32>
    %add3A_18 = arith.addf %mul3A_17, %get3A_16 : vector<16xf32>
    %get3A_19 = arith.constant 16 : index
    %get3A_20 = tpu.vector_load %arg5[%get3A_19] {strides = array<i32>} : memref<96xf32, #tpu.memory_space<vmem>>, vector<16xf32>,
    %get3A_21 = vector.shape_cast %get3A_20 : vector<16xf32> to vector<16xf32>
    %get3A_22 = arith.constant 48 : index
    %get3A_23 = tpu.vector_load %arg5[%get3A_22] {strides = array<i32>} : memref<96xf32, #tpu.memory_space<vmem>>, vector<16xf32>,
    %get3A_24 = vector.shape_cast %get3A_23 : vector<16xf32> to vector<16xf32>
    %get3A_25 = arith.constant 80 : index
    %get3A_26 = tpu.vector_load %arg5[%get3A_25] {strides = array<i32>} : memref<96xf32, #tpu.memory_space<vmem>>, vector<16xf32>,
    %get3A_27 = vector.shape_cast %get3A_26 : vector<16xf32> to vector<16xf32>
    %mul3A_28 = arith.mulf %get3A_21, %get3A_24 : vector<16xf32>
    %add3A_29 = arith.addf %mul3A_28, %get3A_27 : vector<16xf32>
    %iota3A = tpu.iota {dimensions = array<i32: 0>} : vector<16xi32>
    %broadcast_in_dim3A = arith.constant 0 : i32
    %broadcast_in_dim3A_30 = vector.broadcast %broadcast_in_dim3A : i32 to vector<16xi32>
    %get3A_31 = arith.constant 0 : index
    %get3A_32 = tpu.vector_load %arg6[%get3A_31] {strides = array<i32>} : memref<96xf32, #tpu.memory_space<vmem>>, vector<16xf32>,
    %get3A_33 = vector.shape_cast %get3A_32 : vector<16xf32> to vector<16xf32>
    %exp3A = math.exp %get3A_33 : vector<16xf32>
    %mul3A_34 = arith.mulf %add3A_18, %exp3A : vector<16xf32>
    %get3A_35 = arith.constant 16 : index
    %get3A_36 = tpu.vector_load %arg6[%get3A_35] {strides = array<i32>} : memref<96xf32, #tpu.memory_space<vmem>>, vector<16xf32>,
    %get3A_37 = vector.shape_cast %get3A_36 : vector<16xf32> to vector<16xf32>
    %exp3A_38 = math.exp %get3A_37 : vector<16xf32>
    %mul3A_39 = arith.mulf %add3A_29, %exp3A_38 : vector<16xf32>
    %max3A = arith.maximumf %mul3A_34, %mul3A_39 : vector<16xf32>
    %iota3A_40 = tpu.iota {dimensions = array<i32: 0>} : vector<16xi32>
    %xor3A = arith.constant 1 : i32
    %xor3A_41 = vector.broadcast %xor3A : i32 to vector<16xi32>
    %xor3A_42 = arith.xori %iota3A_40, %xor3A_41 : vector<16xi32>
    %reshape3A = vector.shape_cast %xor3A_42 : vector<16xi32> to vector<16x1xi32>
    %gather3A = vector.shape_cast %reshape3A : vector<16x1xi32> to vector<16xi32>
    %gather3A_43 = tpu.dynamic_gather %max3A[%gather3A] in [0] : vector<16xf32>, vector<16xi32> -> vector<16xf32>
    %max3A_44 = arith.maximumf %max3A, %gather3A_43 : vector<16xf32>
    %xor3A_45 = arith.constant 2 : i32
    %xor3A_46 = vector.broadcast %xor3A_45 : i32 to vector<16xi32>
    %xor3A_47 = arith.xori %iota3A_40, %xor3A_46 : vector<16xi32>
    %reshape3A_48 = vector.shape_cast %xor3A_47 : vector<16xi32> to vector<16x1xi32>
    %gather3A_49 = vector.shape_cast %reshape3A_48 : vector<16x1xi32> to vector<16xi32>
    %gather3A_50 = tpu.dynamic_gather %max3A_44[%gather3A_49] in [0] : vector<16xf32>, vector<16xi32> -> vector<16xf32>
    %max3A_51 = arith.maximumf %max3A_44, %gather3A_50 : vector<16xf32>
    %xor3A_52 = arith.constant 4 : i32
    %xor3A_53 = vector.broadcast %xor3A_52 : i32 to vector<16xi32>
    %xor3A_54 = arith.xori %iota3A_40, %xor3A_53 : vector<16xi32>
    %reshape3A_55 = vector.shape_cast %xor3A_54 : vector<16xi32> to vector<16x1xi32>
    %gather3A_56 = vector.shape_cast %reshape3A_55 : vector<16x1xi32> to vector<16xi32>
    %gather3A_57 = tpu.dynamic_gather %max3A_51[%gather3A_56] in [0] : vector<16xf32>, vector<16xi32> -> vector<16xf32>
    %max3A_58 = arith.maximumf %max3A_51, %gather3A_57 : vector<16xf32>
    %xor3A_59 = arith.constant 8 : i32
    %xor3A_60 = vector.broadcast %xor3A_59 : i32 to vector<16xi32>
    %xor3A_61 = arith.xori %iota3A_40, %xor3A_60 : vector<16xi32>
    %reshape3A_62 = vector.shape_cast %xor3A_61 : vector<16xi32> to vector<16x1xi32>
    %gather3A_63 = vector.shape_cast %reshape3A_62 : vector<16x1xi32> to vector<16xi32>
    %gather3A_64 = tpu.dynamic_gather %max3A_58[%gather3A_63] in [0] : vector<16xf32>, vector<16xi32> -> vector<16xf32>
    %max3A_65 = arith.maximumf %max3A_58, %gather3A_64 : vector<16xf32>
    %broadcast_in_dim3A_66 = arith.constant 64 : i32
    %broadcast_in_dim3A_67 = vector.broadcast %broadcast_in_dim3A_66 : i32 to vector<16xi32>
    %eq3A = arith.cmpf oeq, %mul3A_34, %max3A_65 : vector<16xf32>
    %add3A_68 = arith.constant 0 : i32
    %add3A_69 = vector.broadcast %add3A_68 : i32 to vector<16xi32>
    %add3A_70 = arith.addi %iota3A, %add3A_69 : vector<16xi32>
    %jit3A = arith.constant 64 : i32
    %broadcast_in_dim3A_71 = vector.broadcast %jit3A : i32 to vector<16xi32>
    %select_n3A = arith.select %eq3A, %add3A_70, %broadcast_in_dim3A_71 : vector<16xi1>, vector<16xi32>
    %min3A = arith.minsi %broadcast_in_dim3A_67, %select_n3A : vector<16xi32>
    %eq3A_72 = arith.cmpf oeq, %mul3A_39, %max3A_65 : vector<16xf32>
    %add3A_73 = arith.constant 16 : i32
    %add3A_74 = vector.broadcast %add3A_73 : i32 to vector<16xi32>
    %add3A_75 = arith.addi %iota3A, %add3A_74 : vector<16xi32>
    %jit3A_76 = arith.constant 64 : i32
    %broadcast_in_dim3A_77 = vector.broadcast %jit3A_76 : i32 to vector<16xi32>
    %select_n3A_78 = arith.select %eq3A_72, %add3A_75, %broadcast_in_dim3A_77 : vector<16xi1>, vector<16xi32>
    %min3A_79 = arith.minsi %min3A, %select_n3A_78 : vector<16xi32>
    %iota3A_80 = tpu.iota {dimensions = array<i32: 0>} : vector<16xi32>
    %xor3A_81 = arith.constant 1 : i32
    %xor3A_82 = vector.broadcast %xor3A_81 : i32 to vector<16xi32>
    %xor3A_83 = arith.xori %iota3A_80, %xor3A_82 : vector<16xi32>
    %reshape3A_84 = vector.shape_cast %xor3A_83 : vector<16xi32> to vector<16x1xi32>
    %gather3A_85 = vector.shape_cast %reshape3A_84 : vector<16x1xi32> to vector<16xi32>
    %gather3A_86 = tpu.dynamic_gather %min3A_79[%gather3A_85] in [0] : vector<16xi32>, vector<16xi32> -> vector<16xi32>
    %min3A_87 = arith.minsi %min3A_79, %gather3A_86 : vector<16xi32>
    %xor3A_88 = arith.constant 2 : i32
    %xor3A_89 = vector.broadcast %xor3A_88 : i32 to vector<16xi32>
    %xor3A_90 = arith.xori %iota3A_80, %xor3A_89 : vector<16xi32>
    %reshape3A_91 = vector.shape_cast %xor3A_90 : vector<16xi32> to vector<16x1xi32>
    %gather3A_92 = vector.shape_cast %reshape3A_91 : vector<16x1xi32> to vector<16xi32>
    %gather3A_93 = tpu.dynamic_gather %min3A_87[%gather3A_92] in [0] : vector<16xi32>, vector<16xi32> -> vector<16xi32>
    %min3A_94 = arith.minsi %min3A_87, %gather3A_93 : vector<16xi32>
    %xor3A_95 = arith.constant 4 : i32
    %xor3A_96 = vector.broadcast %xor3A_95 : i32 to vector<16xi32>
    %xor3A_97 = arith.xori %iota3A_80, %xor3A_96 : vector<16xi32>
    %reshape3A_98 = vector.shape_cast %xor3A_97 : vector<16xi32> to vector<16x1xi32>
    %gather3A_99 = vector.shape_cast %reshape3A_98 : vector<16x1xi32> to vector<16xi32>
    %gather3A_100 = tpu.dynamic_gather %min3A_94[%gather3A_99] in [0] : vector<16xi32>, vector<16xi32> -> vector<16xi32>
    %min3A_101 = arith.minsi %min3A_94, %gather3A_100 : vector<16xi32>
    %xor3A_102 = arith.constant 8 : i32
    %xor3A_103 = vector.broadcast %xor3A_102 : i32 to vector<16xi32>
    %xor3A_104 = arith.xori %iota3A_80, %xor3A_103 : vector<16xi32>
    %reshape3A_105 = vector.shape_cast %xor3A_104 : vector<16xi32> to vector<16x1xi32>
    %gather3A_106 = vector.shape_cast %reshape3A_105 : vector<16x1xi32> to vector<16xi32>
    %gather3A_107 = tpu.dynamic_gather %min3A_101[%gather3A_106] in [0] : vector<16xi32>, vector<16xi32> -> vector<16xi32>
    %min3A_108 = arith.minsi %min3A_101, %gather3A_107 : vector<16xi32>
    %eq3A_109 = arith.constant 0 : i32
    %eq3A_110 = vector.broadcast %eq3A_109 : i32 to vector<16xi32>
    %eq3A_111 = arith.cmpi eq, %iota3A, %eq3A_110 : vector<16xi32>
    %select_n3A_112 = arith.select %eq3A_111, %min3A_108, %broadcast_in_dim3A_30 : vector<16xi1>, vector<16xi32>
    %get3A_113 = arith.constant 32 : index
    %get3A_114 = tpu.vector_load %arg6[%get3A_113] {strides = array<i32>} : memref<96xf32, #tpu.memory_space<vmem>>, vector<16xf32>,
    %get3A_115 = vector.shape_cast %get3A_114 : vector<16xf32> to vector<16xf32>
    %exp3A_116 = math.exp %get3A_115 : vector<16xf32>
    %mul3A_117 = arith.mulf %add3A_18, %exp3A_116 : vector<16xf32>
    %get3A_118 = arith.constant 48 : index
    %get3A_119 = tpu.vector_load %arg6[%get3A_118] {strides = array<i32>} : memref<96xf32, #tpu.memory_space<vmem>>, vector<16xf32>,
    %get3A_120 = vector.shape_cast %get3A_119 : vector<16xf32> to vector<16xf32>
    %exp3A_121 = math.exp %get3A_120 : vector<16xf32>
    %mul3A_122 = arith.mulf %add3A_29, %exp3A_121 : vector<16xf32>
    %max3A_123 = arith.maximumf %mul3A_117, %mul3A_122 : vector<16xf32>
    %iota3A_124 = tpu.iota {dimensions = array<i32: 0>} : vector<16xi32>
    %xor3A_125 = arith.constant 1 : i32
    %xor3A_126 = vector.broadcast %xor3A_125 : i32 to vector<16xi32>
    %xor3A_127 = arith.xori %iota3A_124, %xor3A_126 : vector<16xi32>
    %reshape3A_128 = vector.shape_cast %xor3A_127 : vector<16xi32> to vector<16x1xi32>
    %gather3A_129 = vector.shape_cast %reshape3A_128 : vector<16x1xi32> to vector<16xi32>
    %gather3A_130 = tpu.dynamic_gather %max3A_123[%gather3A_129] in [0] : vector<16xf32>, vector<16xi32> -> vector<16xf32>
    %max3A_131 = arith.maximumf %max3A_123, %gather3A_130 : vector<16xf32>
    %xor3A_132 = arith.constant 2 : i32
    %xor3A_133 = vector.broadcast %xor3A_132 : i32 to vector<16xi32>
    %xor3A_134 = arith.xori %iota3A_124, %xor3A_133 : vector<16xi32>
    %reshape3A_135 = vector.shape_cast %xor3A_134 : vector<16xi32> to vector<16x1xi32>
    %gather3A_136 = vector.shape_cast %reshape3A_135 : vector<16x1xi32> to vector<16xi32>
    %gather3A_137 = tpu.dynamic_gather %max3A_131[%gather3A_136] in [0] : vector<16xf32>, vector<16xi32> -> vector<16xf32>
    %max3A_138 = arith.maximumf %max3A_131, %gather3A_137 : vector<16xf32>
    %xor3A_139 = arith.constant 4 : i32
    %xor3A_140 = vector.broadcast %xor3A_139 : i32 to vector<16xi32>
    %xor3A_141 = arith.xori %iota3A_124, %xor3A_140 : vector<16xi32>
    %reshape3A_142 = vector.shape_cast %xor3A_141 : vector<16xi32> to vector<16x1xi32>
    %gather3A_143 = vector.shape_cast %reshape3A_142 : vector<16x1xi32> to vector<16xi32>
    %gather3A_144 = tpu.dynamic_gather %max3A_138[%gather3A_143] in [0] : vector<16xf32>, vector<16xi32> -> vector<16xf32>
    %max3A_145 = arith.maximumf %max3A_138, %gather3A_144 : vector<16xf32>
    %xor3A_146 = arith.constant 8 : i32
    %xor3A_147 = vector.broadcast %xor3A_146 : i32 to vector<16xi32>
    %xor3A_148 = arith.xori %iota3A_124, %xor3A_147 : vector<16xi32>
    %reshape3A_149 = vector.shape_cast %xor3A_148 : vector<16xi32> to vector<16x1xi32>
    %gather3A_150 = vector.shape_cast %reshape3A_149 : vector<16x1xi32> to vector<16xi32>
    %gather3A_151 = tpu.dynamic_gather %max3A_145[%gather3A_150] in [0] : vector<16xf32>, vector<16xi32> -> vector<16xf32>
    %max3A_152 = arith.maximumf %max3A_145, %gather3A_151 : vector<16xf32>
    %broadcast_in_dim3A_153 = arith.constant 64 : i32
    %broadcast_in_dim3A_154 = vector.broadcast %broadcast_in_dim3A_153 : i32 to vector<16xi32>
    %eq3A_155 = arith.cmpf oeq, %mul3A_117, %max3A_152 : vector<16xf32>
    %add3A_156 = arith.constant 0 : i32
    %add3A_157 = vector.broadcast %add3A_156 : i32 to vector<16xi32>
    %add3A_158 = arith.addi %iota3A, %add3A_157 : vector<16xi32>
    %jit3A_159 = arith.constant 64 : i32
    %broadcast_in_dim3A_160 = vector.broadcast %jit3A_159 : i32 to vector<16xi32>
    %select_n3A_161 = arith.select %eq3A_155, %add3A_158, %broadcast_in_dim3A_160 : vector<16xi1>, vector<16xi32>
    %min3A_162 = arith.minsi %broadcast_in_dim3A_154, %select_n3A_161 : vector<16xi32>
    %eq3A_163 = arith.cmpf oeq, %mul3A_122, %max3A_152 : vector<16xf32>
    %add3A_164 = arith.constant 16 : i32
    %add3A_165 = vector.broadcast %add3A_164 : i32 to vector<16xi32>
    %add3A_166 = arith.addi %iota3A, %add3A_165 : vector<16xi32>
    %jit3A_167 = arith.constant 64 : i32
    %broadcast_in_dim3A_168 = vector.broadcast %jit3A_167 : i32 to vector<16xi32>
    %select_n3A_169 = arith.select %eq3A_163, %add3A_166, %broadcast_in_dim3A_168 : vector<16xi1>, vector<16xi32>
    %min3A_170 = arith.minsi %min3A_162, %select_n3A_169 : vector<16xi32>
    %iota3A_171 = tpu.iota {dimensions = array<i32: 0>} : vector<16xi32>
    %xor3A_172 = arith.constant 1 : i32
    %xor3A_173 = vector.broadcast %xor3A_172 : i32 to vector<16xi32>
    %xor3A_174 = arith.xori %iota3A_171, %xor3A_173 : vector<16xi32>
    %reshape3A_175 = vector.shape_cast %xor3A_174 : vector<16xi32> to vector<16x1xi32>
    %gather3A_176 = vector.shape_cast %reshape3A_175 : vector<16x1xi32> to vector<16xi32>
    %gather3A_177 = tpu.dynamic_gather %min3A_170[%gather3A_176] in [0] : vector<16xi32>, vector<16xi32> -> vector<16xi32>
    %min3A_178 = arith.minsi %min3A_170, %gather3A_177 : vector<16xi32>
    %xor3A_179 = arith.constant 2 : i32
    %xor3A_180 = vector.broadcast %xor3A_179 : i32 to vector<16xi32>
    %xor3A_181 = arith.xori %iota3A_171, %xor3A_180 : vector<16xi32>
    %reshape3A_182 = vector.shape_cast %xor3A_181 : vector<16xi32> to vector<16x1xi32>
    %gather3A_183 = vector.shape_cast %reshape3A_182 : vector<16x1xi32> to vector<16xi32>
    %gather3A_184 = tpu.dynamic_gather %min3A_178[%gather3A_183] in [0] : vector<16xi32>, vector<16xi32> -> vector<16xi32>
    %min3A_185 = arith.minsi %min3A_178, %gather3A_184 : vector<16xi32>
    %xor3A_186 = arith.constant 4 : i32
    %xor3A_187 = vector.broadcast %xor3A_186 : i32 to vector<16xi32>
    %xor3A_188 = arith.xori %iota3A_171, %xor3A_187 : vector<16xi32>
    %reshape3A_189 = vector.shape_cast %xor3A_188 : vector<16xi32> to vector<16x1xi32>
    %gather3A_190 = vector.shape_cast %reshape3A_189 : vector<16x1xi32> to vector<16xi32>
    %gather3A_191 = tpu.dynamic_gather %min3A_185[%gather3A_190] in [0] : vector<16xi32>, vector<16xi32> -> vector<16xi32>
    %min3A_192 = arith.minsi %min3A_185, %gather3A_191 : vector<16xi32>
    %xor3A_193 = arith.constant 8 : i32
    %xor3A_194 = vector.broadcast %xor3A_193 : i32 to vector<16xi32>
    %xor3A_195 = arith.xori %iota3A_171, %xor3A_194 : vector<16xi32>
    %reshape3A_196 = vector.shape_cast %xor3A_195 : vector<16xi32> to vector<16x1xi32>
    %gather3A_197 = vector.shape_cast %reshape3A_196 : vector<16x1xi32> to vector<16xi32>
    %gather3A_198 = tpu.dynamic_gather %min3A_192[%gather3A_197] in [0] : vector<16xi32>, vector<16xi32> -> vector<16xi32>
    %min3A_199 = arith.minsi %min3A_192, %gather3A_198 : vector<16xi32>
    %eq3A_200 = arith.constant 1 : i32
    %eq3A_201 = vector.broadcast %eq3A_200 : i32 to vector<16xi32>
    %eq3A_202 = arith.cmpi eq, %iota3A, %eq3A_201 : vector<16xi32>
    %select_n3A_203 = arith.select %eq3A_202, %min3A_199, %select_n3A_112 : vector<16xi1>, vector<16xi32>
    %get3A_204 = arith.constant 64 : index
    %get3A_205 = tpu.vector_load %arg6[%get3A_204] {strides = array<i32>} : memref<96xf32, #tpu.memory_space<vmem>>, vector<16xf32>,
    %get3A_206 = vector.shape_cast %get3A_205 : vector<16xf32> to vector<16xf32>
    %exp3A_207 = math.exp %get3A_206 : vector<16xf32>
    %mul3A_208 = arith.mulf %add3A_18, %exp3A_207 : vector<16xf32>
    %get3A_209 = arith.constant 80 : index
    %get3A_210 = tpu.vector_load %arg6[%get3A_209] {strides = array<i32>} : memref<96xf32, #tpu.memory_space<vmem>>, vector<16xf32>,
    %get3A_211 = vector.shape_cast %get3A_210 : vector<16xf32> to vector<16xf32>
    %exp3A_212 = math.exp %get3A_211 : vector<16xf32>
    %mul3A_213 = arith.mulf %add3A_29, %exp3A_212 : vector<16xf32>
    %max3A_214 = arith.maximumf %mul3A_208, %mul3A_213 : vector<16xf32>
    %iota3A_215 = tpu.iota {dimensions = array<i32: 0>} : vector<16xi32>
    %xor3A_216 = arith.constant 1 : i32
    %xor3A_217 = vector.broadcast %xor3A_216 : i32 to vector<16xi32>
    %xor3A_218 = arith.xori %iota3A_215, %xor3A_217 : vector<16xi32>
    %reshape3A_219 = vector.shape_cast %xor3A_218 : vector<16xi32> to vector<16x1xi32>
    %gather3A_220 = vector.shape_cast %reshape3A_219 : vector<16x1xi32> to vector<16xi32>
    %gather3A_221 = tpu.dynamic_gather %max3A_214[%gather3A_220] in [0] : vector<16xf32>, vector<16xi32> -> vector<16xf32>
    %max3A_222 = arith.maximumf %max3A_214, %gather3A_221 : vector<16xf32>
    %xor3A_223 = arith.constant 2 : i32
    %xor3A_224 = vector.broadcast %xor3A_223 : i32 to vector<16xi32>
    %xor3A_225 = arith.xori %iota3A_215, %xor3A_224 : vector<16xi32>
    %reshape3A_226 = vector.shape_cast %xor3A_225 : vector<16xi32> to vector<16x1xi32>
    %gather3A_227 = vector.shape_cast %reshape3A_226 : vector<16x1xi32> to vector<16xi32>
    %gather3A_228 = tpu.dynamic_gather %max3A_222[%gather3A_227] in [0] : vector<16xf32>, vector<16xi32> -> vector<16xf32>
    %max3A_229 = arith.maximumf %max3A_222, %gather3A_228 : vector<16xf32>
    %xor3A_230 = arith.constant 4 : i32
    %xor3A_231 = vector.broadcast %xor3A_230 : i32 to vector<16xi32>
    %xor3A_232 = arith.xori %iota3A_215, %xor3A_231 : vector<16xi32>
    %reshape3A_233 = vector.shape_cast %xor3A_232 : vector<16xi32> to vector<16x1xi32>
    %gather3A_234 = vector.shape_cast %reshape3A_233 : vector<16x1xi32> to vector<16xi32>
    %gather3A_235 = tpu.dynamic_gather %max3A_229[%gather3A_234] in [0] : vector<16xf32>, vector<16xi32> -> vector<16xf32>
    %max3A_236 = arith.maximumf %max3A_229, %gather3A_235 : vector<16xf32>
    %xor3A_237 = arith.constant 8 : i32
    %xor3A_238 = vector.broadcast %xor3A_237 : i32 to vector<16xi32>
    %xor3A_239 = arith.xori %iota3A_215, %xor3A_238 : vector<16xi32>
    %reshape3A_240 = vector.shape_cast %xor3A_239 : vector<16xi32> to vector<16x1xi32>
    %gather3A_241 = vector.shape_cast %reshape3A_240 : vector<16x1xi32> to vector<16xi32>
    %gather3A_242 = tpu.dynamic_gather %max3A_236[%gather3A_241] in [0] : vector<16xf32>, vector<16xi32> -> vector<16xf32>
    %max3A_243 = arith.maximumf %max3A_236, %gather3A_242 : vector<16xf32>
    %broadcast_in_dim3A_244 = arith.constant 64 : i32
    %broadcast_in_dim3A_245 = vector.broadcast %broadcast_in_dim3A_244 : i32 to vector<16xi32>
    %eq3A_246 = arith.cmpf oeq, %mul3A_208, %max3A_243 : vector<16xf32>
    %add3A_247 = arith.constant 0 : i32
    %add3A_248 = vector.broadcast %add3A_247 : i32 to vector<16xi32>
    %add3A_249 = arith.addi %iota3A, %add3A_248 : vector<16xi32>
    %jit3A_250 = arith.constant 64 : i32
    %broadcast_in_dim3A_251 = vector.broadcast %jit3A_250 : i32 to vector<16xi32>
    %select_n3A_252 = arith.select %eq3A_246, %add3A_249, %broadcast_in_dim3A_251 : vector<16xi1>, vector<16xi32>
    %min3A_253 = arith.minsi %broadcast_in_dim3A_245, %select_n3A_252 : vector<16xi32>
    %eq3A_254 = arith.cmpf oeq, %mul3A_213, %max3A_243 : vector<16xf32>
    %add3A_255 = arith.constant 16 : i32
    %add3A_256 = vector.broadcast %add3A_255 : i32 to vector<16xi32>
    %add3A_257 = arith.addi %iota3A, %add3A_256 : vector<16xi32>
    %jit3A_258 = arith.constant 64 : i32
    %broadcast_in_dim3A_259 = vector.broadcast %jit3A_258 : i32 to vector<16xi32>
    %select_n3A_260 = arith.select %eq3A_254, %add3A_257, %broadcast_in_dim3A_259 : vector<16xi1>, vector<16xi32>
    %min3A_261 = arith.minsi %min3A_253, %select_n3A_260 : vector<16xi32>
    %iota3A_262 = tpu.iota {dimensions = array<i32: 0>} : vector<16xi32>
    %xor3A_263 = arith.constant 1 : i32
    %xor3A_264 = vector.broadcast %xor3A_263 : i32 to vector<16xi32>
    %xor3A_265 = arith.xori %iota3A_262, %xor3A_264 : vector<16xi32>
    %reshape3A_266 = vector.shape_cast %xor3A_265 : vector<16xi32> to vector<16x1xi32>
    %gather3A_267 = vector.shape_cast %reshape3A_266 : vector<16x1xi32> to vector<16xi32>
    %gather3A_268 = tpu.dynamic_gather %min3A_261[%gather3A_267] in [0] : vector<16xi32>, vector<16xi32> -> vector<16xi32>
    %min3A_269 = arith.minsi %min3A_261, %gather3A_268 : vector<16xi32>
    %xor3A_270 = arith.constant 2 : i32
    %xor3A_271 = vector.broadcast %xor3A_270 : i32 to vector<16xi32>
    %xor3A_272 = arith.xori %iota3A_262, %xor3A_271 : vector<16xi32>
    %reshape3A_273 = vector.shape_cast %xor3A_272 : vector<16xi32> to vector<16x1xi32>
    %gather3A_274 = vector.shape_cast %reshape3A_273 : vector<16x1xi32> to vector<16xi32>
    %gather3A_275 = tpu.dynamic_gather %min3A_269[%gather3A_274] in [0] : vector<16xi32>, vector<16xi32> -> vector<16xi32>
    %min3A_276 = arith.minsi %min3A_269, %gather3A_275 : vector<16xi32>
    %xor3A_277 = arith.constant 4 : i32
    %xor3A_278 = vector.broadcast %xor3A_277 : i32 to vector<16xi32>
    %xor3A_279 = arith.xori %iota3A_262, %xor3A_278 : vector<16xi32>
    %reshape3A_280 = vector.shape_cast %xor3A_279 : vector<16xi32> to vector<16x1xi32>
    %gather3A_281 = vector.shape_cast %reshape3A_280 : vector<16x1xi32> to vector<16xi32>
    %gather3A_282 = tpu.dynamic_gather %min3A_276[%gather3A_281] in [0] : vector<16xi32>, vector<16xi32> -> vector<16xi32>
    %min3A_283 = arith.minsi %min3A_276, %gather3A_282 : vector<16xi32>
    %xor3A_284 = arith.constant 8 : i32
    %xor3A_285 = vector.broadcast %xor3A_284 : i32 to vector<16xi32>
    %xor3A_286 = arith.xori %iota3A_262, %xor3A_285 : vector<16xi32>
    %reshape3A_287 = vector.shape_cast %xor3A_286 : vector<16xi32> to vector<16x1xi32>
    %gather3A_288 = vector.shape_cast %reshape3A_287 : vector<16x1xi32> to vector<16xi32>
    %gather3A_289 = tpu.dynamic_gather %min3A_283[%gather3A_288] in [0] : vector<16xi32>, vector<16xi32> -> vector<16xi32>
    %min3A_290 = arith.minsi %min3A_283, %gather3A_289 : vector<16xi32>
    %eq3A_291 = arith.constant 2 : i32
    %eq3A_292 = vector.broadcast %eq3A_291 : i32 to vector<16xi32>
    %eq3A_293 = arith.cmpi eq, %iota3A, %eq3A_292 : vector<16xi32>
    %select_n3A_294 = arith.select %eq3A_293, %min3A_290, %select_n3A_203 : vector<16xi1>, vector<16xi32>
    %swap3A = arith.constant 0 : index
    %swap3A_295 = tpu.vector_load %arg7[%swap3A] {strides = array<i32>} : memref<16xi32, #tpu.memory_space<vmem>>, vector<16xi32>,
    %swap3A_296 = vector.shape_cast %swap3A_295 : vector<16xi32> to vector<16xi32>
    %swap3A_297 = vector.shape_cast %select_n3A_294 : vector<16xi32> to vector<16xi32>
    tpu.vector_store %arg7[%swap3A], %swap3A_297 {strides = array<i32>} : memref<16xi32, #tpu.memory_space<vmem>>, vector<16xi32>,
    %mul3A_298 = arith.constant 16 : i32
    %mul3A_299 = arith.muli %add3A, %mul3A_298 : i32
    "tpu.region"() ({
      %run_scoped3A = tpu.sem_alloc : memref<!tpu.dma_semaphore, #tpu.memory_space<semaphore_mem>>
      %dma_start3A = tpu.memref_slice %arg4[%mul3A_299] : memref<512xi32, #tpu.memory_space<hbm>> -> memref<16xi32, #tpu.memory_space<hbm>>
      %dma_start3A_300 = tpu.memref_slice %arg4[%mul3A_299] : memref<512xi32, #tpu.memory_space<hbm>> -> memref<16xi32, #tpu.memory_space<hbm>>
      tpu.enqueue_dma source(%arg7 : memref<16xi32, #tpu.memory_space<vmem>>) target(%dma_start3A_300 : memref<16xi32, #tpu.memory_space<hbm>>) target_semaphore(%run_scoped3A : memref<!tpu.dma_semaphore, #tpu.memory_space<semaphore_mem>>)
      %dma_wait3A = tpu.memref_slice %arg4[%mul3A_299] : memref<512xi32, #tpu.memory_space<hbm>> -> memref<16xi32, #tpu.memory_space<hbm>>
      %dma_wait3A_301 = tpu.memref_slice %arg4[%mul3A_299] : memref<512xi32, #tpu.memory_space<hbm>> -> memref<16xi32, #tpu.memory_space<hbm>>
      tpu.wait_dma2 semaphore(%run_scoped3A : memref<!tpu.dma_semaphore, #tpu.memory_space<semaphore_mem>>) src(%arg7 : memref<16xi32, #tpu.memory_space<vmem>>) dst(%dma_wait3A_301 : memref<16xi32, #tpu.memory_space<hbm>>)
      tpu.yield
    }) : () -> ()
    return
  }
}

module attributes {stable_mosaic.version = 14 : i64} {
  func.func @_tc_body(%arg0: i32, %arg1: memref<512xi32, #tpu.memory_space<smem>>, %arg2: memref<1x32x16x168xf32, #tpu.memory_space<vmem>>, %arg3: memref<96x64xf32, #tpu.memory_space<vmem>>, %arg4: memref<1x96xf32, #tpu.memory_space<vmem>>, %arg5: memref<1x32x168x96xf32, #tpu.memory_space<vmem>>) attributes {dimension_semantics = [#tpu.dimension_semantics<parallel>], iteration_bounds = array<i64: 32>, scalar_prefetch = 0 : i64, scratch_operands = 0 : i64, tpu.core_type = #tpu.core_type<tc>, window_params = [{transform_indices = @transform_0, window_bounds = array<i64: 512>}, {transform_indices = @transform_1, window_bounds = array<i64: 1, 32, 16, 168>}, {pipeline_mode = #tpu.pipeline_mode<synchronous>, transform_indices = @transform_2, window_bounds = array<i64: 96, 64>}, {pipeline_mode = #tpu.pipeline_mode<synchronous>, transform_indices = @transform_3, window_bounds = array<i64: 1, 96>}, {transform_indices = @transform_4, window_bounds = array<i64: 1, 32, 168, 96>}]} {
    %get3A = arith.constant 0 : index
    %get3A_0 = arith.constant 0 : index
    %get3A_1 = arith.constant 0 : index
    %get3A_2 = arith.constant 0 : index
    %get3A_3 = vector.load %arg2[%get3A, %get3A_0, %get3A_1, %get3A_2] : memref<1x32x16x168xf32, #tpu.memory_space<vmem>>, vector<1x1x16x168xf32>
    %get3A_4 = vector.shape_cast %get3A_3 : vector<1x1x16x168xf32> to vector<16x168xf32>
    %get3A_5 = arith.constant 0 : index
    %get3A_6 = memref.load %arg1[%get3A_5] : memref<512xi32, #tpu.memory_space<smem>>
    %get3A_7 = arith.constant 0 : index
    %get3A_8 = arith.index_cast %get3A_6 : i32 to index
    %get3A_9 = arith.constant 0 : index
    %get3A_10 = arith.constant 0 : index
    %get3A_11 = vector.load %arg2[%get3A_7, %get3A_8, %get3A_9, %get3A_10] : memref<1x32x16x168xf32, #tpu.memory_space<vmem>>, vector<1x1x16x168xf32>
    %get3A_12 = vector.shape_cast %get3A_11 : vector<1x1x16x168xf32> to vector<16x168xf32>
    %get3A_13 = arith.constant 1 : index
    %get3A_14 = memref.load %arg1[%get3A_13] : memref<512xi32, #tpu.memory_space<smem>>
    %get3A_15 = arith.constant 0 : index
    %get3A_16 = arith.index_cast %get3A_14 : i32 to index
    %get3A_17 = arith.constant 0 : index
    %get3A_18 = arith.constant 0 : index
    %get3A_19 = vector.load %arg2[%get3A_15, %get3A_16, %get3A_17, %get3A_18] : memref<1x32x16x168xf32, #tpu.memory_space<vmem>>, vector<1x1x16x168xf32>
    %get3A_20 = vector.shape_cast %get3A_19 : vector<1x1x16x168xf32> to vector<16x168xf32>
    %get3A_21 = arith.constant 2 : index
    %get3A_22 = memref.load %arg1[%get3A_21] : memref<512xi32, #tpu.memory_space<smem>>
    %get3A_23 = arith.constant 0 : index
    %get3A_24 = arith.index_cast %get3A_22 : i32 to index
    %get3A_25 = arith.constant 0 : index
    %get3A_26 = arith.constant 0 : index
    %get3A_27 = vector.load %arg2[%get3A_23, %get3A_24, %get3A_25, %get3A_26] : memref<1x32x16x168xf32, #tpu.memory_space<vmem>>, vector<1x1x16x168xf32>
    %get3A_28 = vector.shape_cast %get3A_27 : vector<1x1x16x168xf32> to vector<16x168xf32>
    %concatenate3A = tpu.concatenate %get3A_4, %get3A_12, %get3A_20, %get3A_28 in 0 : vector<16x168xf32>, vector<16x168xf32>, vector<16x168xf32>, vector<16x168xf32> -> vector<64x168xf32>
    %get3A_29 = arith.constant 0 : index
    %get3A_30 = arith.constant 0 : index
    %get3A_31 = vector.load %arg3[%get3A_29, %get3A_30] : memref<96x64xf32, #tpu.memory_space<vmem>>, vector<96x64xf32>
    %dot_general3A = arith.constant dense<0.000000e+00> : vector<168x96xf32>
    %dot_general3A_32 = tpu.matmul %concatenate3A, %get3A_31, %dot_general3A {dimension_numbers = #tpu.dot_dimension_numbers<[0], [1], [1], [0], [0, 1, 1, 0], [], []>, transpose_lhs_hint = false} : vector<64x168xf32>, vector<96x64xf32>, vector<168x96xf32> -> vector<168x96xf32>
    %get3A_33 = arith.constant 0 : index
    %get3A_34 = arith.constant 0 : index
    %get3A_35 = vector.load %arg4[%get3A_33, %get3A_34] : memref<1x96xf32, #tpu.memory_space<vmem>>, vector<1x96xf32>
    %add3A = vector.broadcast %get3A_35 : vector<1x96xf32> to vector<168x96xf32>
    %add3A_36 = arith.addf %dot_general3A_32, %add3A : vector<168x96xf32>
    %swap3A = arith.constant 0 : index
    %swap3A_37 = arith.constant 0 : index
    %swap3A_38 = arith.constant 0 : index
    %swap3A_39 = arith.constant 0 : index
    %swap3A_40 = vector.load %arg5[%swap3A, %swap3A_37, %swap3A_38, %swap3A_39] : memref<1x32x168x96xf32, #tpu.memory_space<vmem>>, vector<1x1x168x96xf32>
    %swap3A_41 = vector.shape_cast %swap3A_40 : vector<1x1x168x96xf32> to vector<168x96xf32>
    %swap3A_42 = vector.shape_cast %add3A_36 : vector<168x96xf32> to vector<1x1x168x96xf32>
    tpu.vector_store %arg5[%swap3A, %swap3A_37, %swap3A_38, %swap3A_39], %swap3A_42 {strides = array<i32>} : memref<1x32x168x96xf32, #tpu.memory_space<vmem>>, vector<1x1x168x96xf32>,
    %get3A_43 = arith.constant 0 : index
    %get3A_44 = arith.constant 1 : index
    %get3A_45 = arith.constant 0 : index
    %get3A_46 = arith.constant 0 : index
    %get3A_47 = vector.load %arg2[%get3A_43, %get3A_44, %get3A_45, %get3A_46] : memref<1x32x16x168xf32, #tpu.memory_space<vmem>>, vector<1x1x16x168xf32>
    %get3A_48 = vector.shape_cast %get3A_47 : vector<1x1x16x168xf32> to vector<16x168xf32>
    %get3A_49 = arith.constant 16 : index
    %get3A_50 = memref.load %arg1[%get3A_49] : memref<512xi32, #tpu.memory_space<smem>>
    %get3A_51 = arith.constant 0 : index
    %get3A_52 = arith.index_cast %get3A_50 : i32 to index
    %get3A_53 = arith.constant 0 : index
    %get3A_54 = arith.constant 0 : index
    %get3A_55 = vector.load %arg2[%get3A_51, %get3A_52, %get3A_53, %get3A_54] : memref<1x32x16x168xf32, #tpu.memory_space<vmem>>, vector<1x1x16x168xf32>
    %get3A_56 = vector.shape_cast %get3A_55 : vector<1x1x16x168xf32> to vector<16x168xf32>
    %get3A_57 = arith.constant 17 : index
    %get3A_58 = memref.load %arg1[%get3A_57] : memref<512xi32, #tpu.memory_space<smem>>
    %get3A_59 = arith.constant 0 : index
    %get3A_60 = arith.index_cast %get3A_58 : i32 to index
    %get3A_61 = arith.constant 0 : index
    %get3A_62 = arith.constant 0 : index
    %get3A_63 = vector.load %arg2[%get3A_59, %get3A_60, %get3A_61, %get3A_62] : memref<1x32x16x168xf32, #tpu.memory_space<vmem>>, vector<1x1x16x168xf32>
    %get3A_64 = vector.shape_cast %get3A_63 : vector<1x1x16x168xf32> to vector<16x168xf32>
    %get3A_65 = arith.constant 18 : index
    %get3A_66 = memref.load %arg1[%get3A_65] : memref<512xi32, #tpu.memory_space<smem>>
    %get3A_67 = arith.constant 0 : index
    %get3A_68 = arith.index_cast %get3A_66 : i32 to index
    %get3A_69 = arith.constant 0 : index
    %get3A_70 = arith.constant 0 : index
    %get3A_71 = vector.load %arg2[%get3A_67, %get3A_68, %get3A_69, %get3A_70] : memref<1x32x16x168xf32, #tpu.memory_space<vmem>>, vector<1x1x16x168xf32>
    %get3A_72 = vector.shape_cast %get3A_71 : vector<1x1x16x168xf32> to vector<16x168xf32>
    %concatenate3A_73 = tpu.concatenate %get3A_48, %get3A_56, %get3A_64, %get3A_72 in 0 : vector<16x168xf32>, vector<16x168xf32>, vector<16x168xf32>, vector<16x168xf32> -> vector<64x168xf32>
    %get3A_74 = arith.constant 0 : index
    %get3A_75 = arith.constant 0 : index
    %get3A_76 = vector.load %arg3[%get3A_74, %get3A_75] : memref<96x64xf32, #tpu.memory_space<vmem>>, vector<96x64xf32>
    %dot_general3A_77 = arith.constant dense<0.000000e+00> : vector<168x96xf32>
    %dot_general3A_78 = tpu.matmul %concatenate3A_73, %get3A_76, %dot_general3A_77 {dimension_numbers = #tpu.dot_dimension_numbers<[0], [1], [1], [0], [0, 1, 1, 0], [], []>, transpose_lhs_hint = false} : vector<64x168xf32>, vector<96x64xf32>, vector<168x96xf32> -> vector<168x96xf32>
    %get3A_79 = arith.constant 0 : index
    %get3A_80 = arith.constant 0 : index
    %get3A_81 = vector.load %arg4[%get3A_79, %get3A_80] : memref<1x96xf32, #tpu.memory_space<vmem>>, vector<1x96xf32>
    %add3A_82 = vector.broadcast %get3A_81 : vector<1x96xf32> to vector<168x96xf32>
    %add3A_83 = arith.addf %dot_general3A_78, %add3A_82 : vector<168x96xf32>
    %swap3A_84 = arith.constant 0 : index
    %swap3A_85 = arith.constant 1 : index
    %swap3A_86 = arith.constant 0 : index
    %swap3A_87 = arith.constant 0 : index
    %swap3A_88 = vector.load %arg5[%swap3A_84, %swap3A_85, %swap3A_86, %swap3A_87] : memref<1x32x168x96xf32, #tpu.memory_space<vmem>>, vector<1x1x168x96xf32>
    %swap3A_89 = vector.shape_cast %swap3A_88 : vector<1x1x168x96xf32> to vector<168x96xf32>
    %swap3A_90 = vector.shape_cast %add3A_83 : vector<168x96xf32> to vector<1x1x168x96xf32>
    tpu.vector_store %arg5[%swap3A_84, %swap3A_85, %swap3A_86, %swap3A_87], %swap3A_90 {strides = array<i32>} : memref<1x32x168x96xf32, #tpu.memory_space<vmem>>, vector<1x1x168x96xf32>,
    %get3A_91 = arith.constant 0 : index
    %get3A_92 = arith.constant 2 : index
    %get3A_93 = arith.constant 0 : index
    %get3A_94 = arith.constant 0 : index
    %get3A_95 = vector.load %arg2[%get3A_91, %get3A_92, %get3A_93, %get3A_94] : memref<1x32x16x168xf32, #tpu.memory_space<vmem>>, vector<1x1x16x168xf32>
    %get3A_96 = vector.shape_cast %get3A_95 : vector<1x1x16x168xf32> to vector<16x168xf32>
    %get3A_97 = arith.constant 32 : index
    %get3A_98 = memref.load %arg1[%get3A_97] : memref<512xi32, #tpu.memory_space<smem>>
    %get3A_99 = arith.constant 0 : index
    %get3A_100 = arith.index_cast %get3A_98 : i32 to index
    %get3A_101 = arith.constant 0 : index
    %get3A_102 = arith.constant 0 : index
    %get3A_103 = vector.load %arg2[%get3A_99, %get3A_100, %get3A_101, %get3A_102] : memref<1x32x16x168xf32, #tpu.memory_space<vmem>>, vector<1x1x16x168xf32>
    %get3A_104 = vector.shape_cast %get3A_103 : vector<1x1x16x168xf32> to vector<16x168xf32>
    %get3A_105 = arith.constant 33 : index
    %get3A_106 = memref.load %arg1[%get3A_105] : memref<512xi32, #tpu.memory_space<smem>>
    %get3A_107 = arith.constant 0 : index
    %get3A_108 = arith.index_cast %get3A_106 : i32 to index
    %get3A_109 = arith.constant 0 : index
    %get3A_110 = arith.constant 0 : index
    %get3A_111 = vector.load %arg2[%get3A_107, %get3A_108, %get3A_109, %get3A_110] : memref<1x32x16x168xf32, #tpu.memory_space<vmem>>, vector<1x1x16x168xf32>
    %get3A_112 = vector.shape_cast %get3A_111 : vector<1x1x16x168xf32> to vector<16x168xf32>
    %get3A_113 = arith.constant 34 : index
    %get3A_114 = memref.load %arg1[%get3A_113] : memref<512xi32, #tpu.memory_space<smem>>
    %get3A_115 = arith.constant 0 : index
    %get3A_116 = arith.index_cast %get3A_114 : i32 to index
    %get3A_117 = arith.constant 0 : index
    %get3A_118 = arith.constant 0 : index
    %get3A_119 = vector.load %arg2[%get3A_115, %get3A_116, %get3A_117, %get3A_118] : memref<1x32x16x168xf32, #tpu.memory_space<vmem>>, vector<1x1x16x168xf32>
    %get3A_120 = vector.shape_cast %get3A_119 : vector<1x1x16x168xf32> to vector<16x168xf32>
    %concatenate3A_121 = tpu.concatenate %get3A_96, %get3A_104, %get3A_112, %get3A_120 in 0 : vector<16x168xf32>, vector<16x168xf32>, vector<16x168xf32>, vector<16x168xf32> -> vector<64x168xf32>
    %get3A_122 = arith.constant 0 : index
    %get3A_123 = arith.constant 0 : index
    %get3A_124 = vector.load %arg3[%get3A_122, %get3A_123] : memref<96x64xf32, #tpu.memory_space<vmem>>, vector<96x64xf32>
    %dot_general3A_125 = arith.constant dense<0.000000e+00> : vector<168x96xf32>
    %dot_general3A_126 = tpu.matmul %concatenate3A_121, %get3A_124, %dot_general3A_125 {dimension_numbers = #tpu.dot_dimension_numbers<[0], [1], [1], [0], [0, 1, 1, 0], [], []>, transpose_lhs_hint = false} : vector<64x168xf32>, vector<96x64xf32>, vector<168x96xf32> -> vector<168x96xf32>
    %get3A_127 = arith.constant 0 : index
    %get3A_128 = arith.constant 0 : index
    %get3A_129 = vector.load %arg4[%get3A_127, %get3A_128] : memref<1x96xf32, #tpu.memory_space<vmem>>, vector<1x96xf32>
    %add3A_130 = vector.broadcast %get3A_129 : vector<1x96xf32> to vector<168x96xf32>
    %add3A_131 = arith.addf %dot_general3A_126, %add3A_130 : vector<168x96xf32>
    %swap3A_132 = arith.constant 0 : index
    %swap3A_133 = arith.constant 2 : index
    %swap3A_134 = arith.constant 0 : index
    %swap3A_135 = arith.constant 0 : index
    %swap3A_136 = vector.load %arg5[%swap3A_132, %swap3A_133, %swap3A_134, %swap3A_135] : memref<1x32x168x96xf32, #tpu.memory_space<vmem>>, vector<1x1x168x96xf32>
    %swap3A_137 = vector.shape_cast %swap3A_136 : vector<1x1x168x96xf32> to vector<168x96xf32>
    %swap3A_138 = vector.shape_cast %add3A_131 : vector<168x96xf32> to vector<1x1x168x96xf32>
    tpu.vector_store %arg5[%swap3A_132, %swap3A_133, %swap3A_134, %swap3A_135], %swap3A_138 {strides = array<i32>} : memref<1x32x168x96xf32, #tpu.memory_space<vmem>>, vector<1x1x168x96xf32>,
    %get3A_139 = arith.constant 0 : index
    %get3A_140 = arith.constant 3 : index
    %get3A_141 = arith.constant 0 : index
    %get3A_142 = arith.constant 0 : index
    %get3A_143 = vector.load %arg2[%get3A_139, %get3A_140, %get3A_141, %get3A_142] : memref<1x32x16x168xf32, #tpu.memory_space<vmem>>, vector<1x1x16x168xf32>
    %get3A_144 = vector.shape_cast %get3A_143 : vector<1x1x16x168xf32> to vector<16x168xf32>
    %get3A_145 = arith.constant 48 : index
    %get3A_146 = memref.load %arg1[%get3A_145] : memref<512xi32, #tpu.memory_space<smem>>
    %get3A_147 = arith.constant 0 : index
    %get3A_148 = arith.index_cast %get3A_146 : i32 to index
    %get3A_149 = arith.constant 0 : index
    %get3A_150 = arith.constant 0 : index
    %get3A_151 = vector.load %arg2[%get3A_147, %get3A_148, %get3A_149, %get3A_150] : memref<1x32x16x168xf32, #tpu.memory_space<vmem>>, vector<1x1x16x168xf32>
    %get3A_152 = vector.shape_cast %get3A_151 : vector<1x1x16x168xf32> to vector<16x168xf32>
    %get3A_153 = arith.constant 49 : index
    %get3A_154 = memref.load %arg1[%get3A_153] : memref<512xi32, #tpu.memory_space<smem>>
    %get3A_155 = arith.constant 0 : index
    %get3A_156 = arith.index_cast %get3A_154 : i32 to index
    %get3A_157 = arith.constant 0 : index
    %get3A_158 = arith.constant 0 : index
    %get3A_159 = vector.load %arg2[%get3A_155, %get3A_156, %get3A_157, %get3A_158] : memref<1x32x16x168xf32, #tpu.memory_space<vmem>>, vector<1x1x16x168xf32>
    %get3A_160 = vector.shape_cast %get3A_159 : vector<1x1x16x168xf32> to vector<16x168xf32>
    %get3A_161 = arith.constant 50 : index
    %get3A_162 = memref.load %arg1[%get3A_161] : memref<512xi32, #tpu.memory_space<smem>>
    %get3A_163 = arith.constant 0 : index
    %get3A_164 = arith.index_cast %get3A_162 : i32 to index
    %get3A_165 = arith.constant 0 : index
    %get3A_166 = arith.constant 0 : index
    %get3A_167 = vector.load %arg2[%get3A_163, %get3A_164, %get3A_165, %get3A_166] : memref<1x32x16x168xf32, #tpu.memory_space<vmem>>, vector<1x1x16x168xf32>
    %get3A_168 = vector.shape_cast %get3A_167 : vector<1x1x16x168xf32> to vector<16x168xf32>
    %concatenate3A_169 = tpu.concatenate %get3A_144, %get3A_152, %get3A_160, %get3A_168 in 0 : vector<16x168xf32>, vector<16x168xf32>, vector<16x168xf32>, vector<16x168xf32> -> vector<64x168xf32>
    %get3A_170 = arith.constant 0 : index
    %get3A_171 = arith.constant 0 : index
    %get3A_172 = vector.load %arg3[%get3A_170, %get3A_171] : memref<96x64xf32, #tpu.memory_space<vmem>>, vector<96x64xf32>
    %dot_general3A_173 = arith.constant dense<0.000000e+00> : vector<168x96xf32>
    %dot_general3A_174 = tpu.matmul %concatenate3A_169, %get3A_172, %dot_general3A_173 {dimension_numbers = #tpu.dot_dimension_numbers<[0], [1], [1], [0], [0, 1, 1, 0], [], []>, transpose_lhs_hint = false} : vector<64x168xf32>, vector<96x64xf32>, vector<168x96xf32> -> vector<168x96xf32>
    %get3A_175 = arith.constant 0 : index
    %get3A_176 = arith.constant 0 : index
    %get3A_177 = vector.load %arg4[%get3A_175, %get3A_176] : memref<1x96xf32, #tpu.memory_space<vmem>>, vector<1x96xf32>
    %add3A_178 = vector.broadcast %get3A_177 : vector<1x96xf32> to vector<168x96xf32>
    %add3A_179 = arith.addf %dot_general3A_174, %add3A_178 : vector<168x96xf32>
    %swap3A_180 = arith.constant 0 : index
    %swap3A_181 = arith.constant 3 : index
    %swap3A_182 = arith.constant 0 : index
    %swap3A_183 = arith.constant 0 : index
    %swap3A_184 = vector.load %arg5[%swap3A_180, %swap3A_181, %swap3A_182, %swap3A_183] : memref<1x32x168x96xf32, #tpu.memory_space<vmem>>, vector<1x1x168x96xf32>
    %swap3A_185 = vector.shape_cast %swap3A_184 : vector<1x1x168x96xf32> to vector<168x96xf32>
    %swap3A_186 = vector.shape_cast %add3A_179 : vector<168x96xf32> to vector<1x1x168x96xf32>
    tpu.vector_store %arg5[%swap3A_180, %swap3A_181, %swap3A_182, %swap3A_183], %swap3A_186 {strides = array<i32>} : memref<1x32x168x96xf32, #tpu.memory_space<vmem>>, vector<1x1x168x96xf32>,
    %get3A_187 = arith.constant 0 : index
    %get3A_188 = arith.constant 4 : index
    %get3A_189 = arith.constant 0 : index
    %get3A_190 = arith.constant 0 : index
    %get3A_191 = vector.load %arg2[%get3A_187, %get3A_188, %get3A_189, %get3A_190] : memref<1x32x16x168xf32, #tpu.memory_space<vmem>>, vector<1x1x16x168xf32>
    %get3A_192 = vector.shape_cast %get3A_191 : vector<1x1x16x168xf32> to vector<16x168xf32>
    %get3A_193 = arith.constant 64 : index
    %get3A_194 = memref.load %arg1[%get3A_193] : memref<512xi32, #tpu.memory_space<smem>>
    %get3A_195 = arith.constant 0 : index
    %get3A_196 = arith.index_cast %get3A_194 : i32 to index
    %get3A_197 = arith.constant 0 : index
    %get3A_198 = arith.constant 0 : index
    %get3A_199 = vector.load %arg2[%get3A_195, %get3A_196, %get3A_197, %get3A_198] : memref<1x32x16x168xf32, #tpu.memory_space<vmem>>, vector<1x1x16x168xf32>
    %get3A_200 = vector.shape_cast %get3A_199 : vector<1x1x16x168xf32> to vector<16x168xf32>
    %get3A_201 = arith.constant 65 : index
    %get3A_202 = memref.load %arg1[%get3A_201] : memref<512xi32, #tpu.memory_space<smem>>
    %get3A_203 = arith.constant 0 : index
    %get3A_204 = arith.index_cast %get3A_202 : i32 to index
    %get3A_205 = arith.constant 0 : index
    %get3A_206 = arith.constant 0 : index
    %get3A_207 = vector.load %arg2[%get3A_203, %get3A_204, %get3A_205, %get3A_206] : memref<1x32x16x168xf32, #tpu.memory_space<vmem>>, vector<1x1x16x168xf32>
    %get3A_208 = vector.shape_cast %get3A_207 : vector<1x1x16x168xf32> to vector<16x168xf32>
    %get3A_209 = arith.constant 66 : index
    %get3A_210 = memref.load %arg1[%get3A_209] : memref<512xi32, #tpu.memory_space<smem>>
    %get3A_211 = arith.constant 0 : index
    %get3A_212 = arith.index_cast %get3A_210 : i32 to index
    %get3A_213 = arith.constant 0 : index
    %get3A_214 = arith.constant 0 : index
    %get3A_215 = vector.load %arg2[%get3A_211, %get3A_212, %get3A_213, %get3A_214] : memref<1x32x16x168xf32, #tpu.memory_space<vmem>>, vector<1x1x16x168xf32>
    %get3A_216 = vector.shape_cast %get3A_215 : vector<1x1x16x168xf32> to vector<16x168xf32>
    %concatenate3A_217 = tpu.concatenate %get3A_192, %get3A_200, %get3A_208, %get3A_216 in 0 : vector<16x168xf32>, vector<16x168xf32>, vector<16x168xf32>, vector<16x168xf32> -> vector<64x168xf32>
    %get3A_218 = arith.constant 0 : index
    %get3A_219 = arith.constant 0 : index
    %get3A_220 = vector.load %arg3[%get3A_218, %get3A_219] : memref<96x64xf32, #tpu.memory_space<vmem>>, vector<96x64xf32>
    %dot_general3A_221 = arith.constant dense<0.000000e+00> : vector<168x96xf32>
    %dot_general3A_222 = tpu.matmul %concatenate3A_217, %get3A_220, %dot_general3A_221 {dimension_numbers = #tpu.dot_dimension_numbers<[0], [1], [1], [0], [0, 1, 1, 0], [], []>, transpose_lhs_hint = false} : vector<64x168xf32>, vector<96x64xf32>, vector<168x96xf32> -> vector<168x96xf32>
    %get3A_223 = arith.constant 0 : index
    %get3A_224 = arith.constant 0 : index
    %get3A_225 = vector.load %arg4[%get3A_223, %get3A_224] : memref<1x96xf32, #tpu.memory_space<vmem>>, vector<1x96xf32>
    %add3A_226 = vector.broadcast %get3A_225 : vector<1x96xf32> to vector<168x96xf32>
    %add3A_227 = arith.addf %dot_general3A_222, %add3A_226 : vector<168x96xf32>
    %swap3A_228 = arith.constant 0 : index
    %swap3A_229 = arith.constant 4 : index
    %swap3A_230 = arith.constant 0 : index
    %swap3A_231 = arith.constant 0 : index
    %swap3A_232 = vector.load %arg5[%swap3A_228, %swap3A_229, %swap3A_230, %swap3A_231] : memref<1x32x168x96xf32, #tpu.memory_space<vmem>>, vector<1x1x168x96xf32>
    %swap3A_233 = vector.shape_cast %swap3A_232 : vector<1x1x168x96xf32> to vector<168x96xf32>
    %swap3A_234 = vector.shape_cast %add3A_227 : vector<168x96xf32> to vector<1x1x168x96xf32>
    tpu.vector_store %arg5[%swap3A_228, %swap3A_229, %swap3A_230, %swap3A_231], %swap3A_234 {strides = array<i32>} : memref<1x32x168x96xf32, #tpu.memory_space<vmem>>, vector<1x1x168x96xf32>,
    %get3A_235 = arith.constant 0 : index
    %get3A_236 = arith.constant 5 : index
    %get3A_237 = arith.constant 0 : index
    %get3A_238 = arith.constant 0 : index
    %get3A_239 = vector.load %arg2[%get3A_235, %get3A_236, %get3A_237, %get3A_238] : memref<1x32x16x168xf32, #tpu.memory_space<vmem>>, vector<1x1x16x168xf32>
    %get3A_240 = vector.shape_cast %get3A_239 : vector<1x1x16x168xf32> to vector<16x168xf32>
    %get3A_241 = arith.constant 80 : index
    %get3A_242 = memref.load %arg1[%get3A_241] : memref<512xi32, #tpu.memory_space<smem>>
    %get3A_243 = arith.constant 0 : index
    %get3A_244 = arith.index_cast %get3A_242 : i32 to index
    %get3A_245 = arith.constant 0 : index
    %get3A_246 = arith.constant 0 : index
    %get3A_247 = vector.load %arg2[%get3A_243, %get3A_244, %get3A_245, %get3A_246] : memref<1x32x16x168xf32, #tpu.memory_space<vmem>>, vector<1x1x16x168xf32>
    %get3A_248 = vector.shape_cast %get3A_247 : vector<1x1x16x168xf32> to vector<16x168xf32>
    %get3A_249 = arith.constant 81 : index
    %get3A_250 = memref.load %arg1[%get3A_249] : memref<512xi32, #tpu.memory_space<smem>>
    %get3A_251 = arith.constant 0 : index
    %get3A_252 = arith.index_cast %get3A_250 : i32 to index
    %get3A_253 = arith.constant 0 : index
    %get3A_254 = arith.constant 0 : index
    %get3A_255 = vector.load %arg2[%get3A_251, %get3A_252, %get3A_253, %get3A_254] : memref<1x32x16x168xf32, #tpu.memory_space<vmem>>, vector<1x1x16x168xf32>
    %get3A_256 = vector.shape_cast %get3A_255 : vector<1x1x16x168xf32> to vector<16x168xf32>
    %get3A_257 = arith.constant 82 : index
    %get3A_258 = memref.load %arg1[%get3A_257] : memref<512xi32, #tpu.memory_space<smem>>
    %get3A_259 = arith.constant 0 : index
    %get3A_260 = arith.index_cast %get3A_258 : i32 to index
    %get3A_261 = arith.constant 0 : index
    %get3A_262 = arith.constant 0 : index
    %get3A_263 = vector.load %arg2[%get3A_259, %get3A_260, %get3A_261, %get3A_262] : memref<1x32x16x168xf32, #tpu.memory_space<vmem>>, vector<1x1x16x168xf32>
    %get3A_264 = vector.shape_cast %get3A_263 : vector<1x1x16x168xf32> to vector<16x168xf32>
    %concatenate3A_265 = tpu.concatenate %get3A_240, %get3A_248, %get3A_256, %get3A_264 in 0 : vector<16x168xf32>, vector<16x168xf32>, vector<16x168xf32>, vector<16x168xf32> -> vector<64x168xf32>
    %get3A_266 = arith.constant 0 : index
    %get3A_267 = arith.constant 0 : index
    %get3A_268 = vector.load %arg3[%get3A_266, %get3A_267] : memref<96x64xf32, #tpu.memory_space<vmem>>, vector<96x64xf32>
    %dot_general3A_269 = arith.constant dense<0.000000e+00> : vector<168x96xf32>
    %dot_general3A_270 = tpu.matmul %concatenate3A_265, %get3A_268, %dot_general3A_269 {dimension_numbers = #tpu.dot_dimension_numbers<[0], [1], [1], [0], [0, 1, 1, 0], [], []>, transpose_lhs_hint = false} : vector<64x168xf32>, vector<96x64xf32>, vector<168x96xf32> -> vector<168x96xf32>
    %get3A_271 = arith.constant 0 : index
    %get3A_272 = arith.constant 0 : index
    %get3A_273 = vector.load %arg4[%get3A_271, %get3A_272] : memref<1x96xf32, #tpu.memory_space<vmem>>, vector<1x96xf32>
    %add3A_274 = vector.broadcast %get3A_273 : vector<1x96xf32> to vector<168x96xf32>
    %add3A_275 = arith.addf %dot_general3A_270, %add3A_274 : vector<168x96xf32>
    %swap3A_276 = arith.constant 0 : index
    %swap3A_277 = arith.constant 5 : index
    %swap3A_278 = arith.constant 0 : index
    %swap3A_279 = arith.constant 0 : index
    %swap3A_280 = vector.load %arg5[%swap3A_276, %swap3A_277, %swap3A_278, %swap3A_279] : memref<1x32x168x96xf32, #tpu.memory_space<vmem>>, vector<1x1x168x96xf32>
    %swap3A_281 = vector.shape_cast %swap3A_280 : vector<1x1x168x96xf32> to vector<168x96xf32>
    %swap3A_282 = vector.shape_cast %add3A_275 : vector<168x96xf32> to vector<1x1x168x96xf32>
    tpu.vector_store %arg5[%swap3A_276, %swap3A_277, %swap3A_278, %swap3A_279], %swap3A_282 {strides = array<i32>} : memref<1x32x168x96xf32, #tpu.memory_space<vmem>>, vector<1x1x168x96xf32>,
    %get3A_283 = arith.constant 0 : index
    %get3A_284 = arith.constant 6 : index
    %get3A_285 = arith.constant 0 : index
    %get3A_286 = arith.constant 0 : index
    %get3A_287 = vector.load %arg2[%get3A_283, %get3A_284, %get3A_285, %get3A_286] : memref<1x32x16x168xf32, #tpu.memory_space<vmem>>, vector<1x1x16x168xf32>
    %get3A_288 = vector.shape_cast %get3A_287 : vector<1x1x16x168xf32> to vector<16x168xf32>
    %get3A_289 = arith.constant 96 : index
    %get3A_290 = memref.load %arg1[%get3A_289] : memref<512xi32, #tpu.memory_space<smem>>
    %get3A_291 = arith.constant 0 : index
    %get3A_292 = arith.index_cast %get3A_290 : i32 to index
    %get3A_293 = arith.constant 0 : index
    %get3A_294 = arith.constant 0 : index
    %get3A_295 = vector.load %arg2[%get3A_291, %get3A_292, %get3A_293, %get3A_294] : memref<1x32x16x168xf32, #tpu.memory_space<vmem>>, vector<1x1x16x168xf32>
    %get3A_296 = vector.shape_cast %get3A_295 : vector<1x1x16x168xf32> to vector<16x168xf32>
    %get3A_297 = arith.constant 97 : index
    %get3A_298 = memref.load %arg1[%get3A_297] : memref<512xi32, #tpu.memory_space<smem>>
    %get3A_299 = arith.constant 0 : index
    %get3A_300 = arith.index_cast %get3A_298 : i32 to index
    %get3A_301 = arith.constant 0 : index
    %get3A_302 = arith.constant 0 : index
    %get3A_303 = vector.load %arg2[%get3A_299, %get3A_300, %get3A_301, %get3A_302] : memref<1x32x16x168xf32, #tpu.memory_space<vmem>>, vector<1x1x16x168xf32>
    %get3A_304 = vector.shape_cast %get3A_303 : vector<1x1x16x168xf32> to vector<16x168xf32>
    %get3A_305 = arith.constant 98 : index
    %get3A_306 = memref.load %arg1[%get3A_305] : memref<512xi32, #tpu.memory_space<smem>>
    %get3A_307 = arith.constant 0 : index
    %get3A_308 = arith.index_cast %get3A_306 : i32 to index
    %get3A_309 = arith.constant 0 : index
    %get3A_310 = arith.constant 0 : index
    %get3A_311 = vector.load %arg2[%get3A_307, %get3A_308, %get3A_309, %get3A_310] : memref<1x32x16x168xf32, #tpu.memory_space<vmem>>, vector<1x1x16x168xf32>
    %get3A_312 = vector.shape_cast %get3A_311 : vector<1x1x16x168xf32> to vector<16x168xf32>
    %concatenate3A_313 = tpu.concatenate %get3A_288, %get3A_296, %get3A_304, %get3A_312 in 0 : vector<16x168xf32>, vector<16x168xf32>, vector<16x168xf32>, vector<16x168xf32> -> vector<64x168xf32>
    %get3A_314 = arith.constant 0 : index
    %get3A_315 = arith.constant 0 : index
    %get3A_316 = vector.load %arg3[%get3A_314, %get3A_315] : memref<96x64xf32, #tpu.memory_space<vmem>>, vector<96x64xf32>
    %dot_general3A_317 = arith.constant dense<0.000000e+00> : vector<168x96xf32>
    %dot_general3A_318 = tpu.matmul %concatenate3A_313, %get3A_316, %dot_general3A_317 {dimension_numbers = #tpu.dot_dimension_numbers<[0], [1], [1], [0], [0, 1, 1, 0], [], []>, transpose_lhs_hint = false} : vector<64x168xf32>, vector<96x64xf32>, vector<168x96xf32> -> vector<168x96xf32>
    %get3A_319 = arith.constant 0 : index
    %get3A_320 = arith.constant 0 : index
    %get3A_321 = vector.load %arg4[%get3A_319, %get3A_320] : memref<1x96xf32, #tpu.memory_space<vmem>>, vector<1x96xf32>
    %add3A_322 = vector.broadcast %get3A_321 : vector<1x96xf32> to vector<168x96xf32>
    %add3A_323 = arith.addf %dot_general3A_318, %add3A_322 : vector<168x96xf32>
    %swap3A_324 = arith.constant 0 : index
    %swap3A_325 = arith.constant 6 : index
    %swap3A_326 = arith.constant 0 : index
    %swap3A_327 = arith.constant 0 : index
    %swap3A_328 = vector.load %arg5[%swap3A_324, %swap3A_325, %swap3A_326, %swap3A_327] : memref<1x32x168x96xf32, #tpu.memory_space<vmem>>, vector<1x1x168x96xf32>
    %swap3A_329 = vector.shape_cast %swap3A_328 : vector<1x1x168x96xf32> to vector<168x96xf32>
    %swap3A_330 = vector.shape_cast %add3A_323 : vector<168x96xf32> to vector<1x1x168x96xf32>
    tpu.vector_store %arg5[%swap3A_324, %swap3A_325, %swap3A_326, %swap3A_327], %swap3A_330 {strides = array<i32>} : memref<1x32x168x96xf32, #tpu.memory_space<vmem>>, vector<1x1x168x96xf32>,
    %get3A_331 = arith.constant 0 : index
    %get3A_332 = arith.constant 7 : index
    %get3A_333 = arith.constant 0 : index
    %get3A_334 = arith.constant 0 : index
    %get3A_335 = vector.load %arg2[%get3A_331, %get3A_332, %get3A_333, %get3A_334] : memref<1x32x16x168xf32, #tpu.memory_space<vmem>>, vector<1x1x16x168xf32>
    %get3A_336 = vector.shape_cast %get3A_335 : vector<1x1x16x168xf32> to vector<16x168xf32>
    %get3A_337 = arith.constant 112 : index
    %get3A_338 = memref.load %arg1[%get3A_337] : memref<512xi32, #tpu.memory_space<smem>>
    %get3A_339 = arith.constant 0 : index
    %get3A_340 = arith.index_cast %get3A_338 : i32 to index
    %get3A_341 = arith.constant 0 : index
    %get3A_342 = arith.constant 0 : index
    %get3A_343 = vector.load %arg2[%get3A_339, %get3A_340, %get3A_341, %get3A_342] : memref<1x32x16x168xf32, #tpu.memory_space<vmem>>, vector<1x1x16x168xf32>
    %get3A_344 = vector.shape_cast %get3A_343 : vector<1x1x16x168xf32> to vector<16x168xf32>
    %get3A_345 = arith.constant 113 : index
    %get3A_346 = memref.load %arg1[%get3A_345] : memref<512xi32, #tpu.memory_space<smem>>
    %get3A_347 = arith.constant 0 : index
    %get3A_348 = arith.index_cast %get3A_346 : i32 to index
    %get3A_349 = arith.constant 0 : index
    %get3A_350 = arith.constant 0 : index
    %get3A_351 = vector.load %arg2[%get3A_347, %get3A_348, %get3A_349, %get3A_350] : memref<1x32x16x168xf32, #tpu.memory_space<vmem>>, vector<1x1x16x168xf32>
    %get3A_352 = vector.shape_cast %get3A_351 : vector<1x1x16x168xf32> to vector<16x168xf32>
    %get3A_353 = arith.constant 114 : index
    %get3A_354 = memref.load %arg1[%get3A_353] : memref<512xi32, #tpu.memory_space<smem>>
    %get3A_355 = arith.constant 0 : index
    %get3A_356 = arith.index_cast %get3A_354 : i32 to index
    %get3A_357 = arith.constant 0 : index
    %get3A_358 = arith.constant 0 : index
    %get3A_359 = vector.load %arg2[%get3A_355, %get3A_356, %get3A_357, %get3A_358] : memref<1x32x16x168xf32, #tpu.memory_space<vmem>>, vector<1x1x16x168xf32>
    %get3A_360 = vector.shape_cast %get3A_359 : vector<1x1x16x168xf32> to vector<16x168xf32>
    %concatenate3A_361 = tpu.concatenate %get3A_336, %get3A_344, %get3A_352, %get3A_360 in 0 : vector<16x168xf32>, vector<16x168xf32>, vector<16x168xf32>, vector<16x168xf32> -> vector<64x168xf32>
    %get3A_362 = arith.constant 0 : index
    %get3A_363 = arith.constant 0 : index
    %get3A_364 = vector.load %arg3[%get3A_362, %get3A_363] : memref<96x64xf32, #tpu.memory_space<vmem>>, vector<96x64xf32>
    %dot_general3A_365 = arith.constant dense<0.000000e+00> : vector<168x96xf32>
    %dot_general3A_366 = tpu.matmul %concatenate3A_361, %get3A_364, %dot_general3A_365 {dimension_numbers = #tpu.dot_dimension_numbers<[0], [1], [1], [0], [0, 1, 1, 0], [], []>, transpose_lhs_hint = false} : vector<64x168xf32>, vector<96x64xf32>, vector<168x96xf32> -> vector<168x96xf32>
    %get3A_367 = arith.constant 0 : index
    %get3A_368 = arith.constant 0 : index
    %get3A_369 = vector.load %arg4[%get3A_367, %get3A_368] : memref<1x96xf32, #tpu.memory_space<vmem>>, vector<1x96xf32>
    %add3A_370 = vector.broadcast %get3A_369 : vector<1x96xf32> to vector<168x96xf32>
    %add3A_371 = arith.addf %dot_general3A_366, %add3A_370 : vector<168x96xf32>
    %swap3A_372 = arith.constant 0 : index
    %swap3A_373 = arith.constant 7 : index
    %swap3A_374 = arith.constant 0 : index
    %swap3A_375 = arith.constant 0 : index
    %swap3A_376 = vector.load %arg5[%swap3A_372, %swap3A_373, %swap3A_374, %swap3A_375] : memref<1x32x168x96xf32, #tpu.memory_space<vmem>>, vector<1x1x168x96xf32>
    %swap3A_377 = vector.shape_cast %swap3A_376 : vector<1x1x168x96xf32> to vector<168x96xf32>
    %swap3A_378 = vector.shape_cast %add3A_371 : vector<168x96xf32> to vector<1x1x168x96xf32>
    tpu.vector_store %arg5[%swap3A_372, %swap3A_373, %swap3A_374, %swap3A_375], %swap3A_378 {strides = array<i32>} : memref<1x32x168x96xf32, #tpu.memory_space<vmem>>, vector<1x1x168x96xf32>,
    %get3A_379 = arith.constant 0 : index
    %get3A_380 = arith.constant 8 : index
    %get3A_381 = arith.constant 0 : index
    %get3A_382 = arith.constant 0 : index
    %get3A_383 = vector.load %arg2[%get3A_379, %get3A_380, %get3A_381, %get3A_382] : memref<1x32x16x168xf32, #tpu.memory_space<vmem>>, vector<1x1x16x168xf32>
    %get3A_384 = vector.shape_cast %get3A_383 : vector<1x1x16x168xf32> to vector<16x168xf32>
    %get3A_385 = arith.constant 128 : index
    %get3A_386 = memref.load %arg1[%get3A_385] : memref<512xi32, #tpu.memory_space<smem>>
    %get3A_387 = arith.constant 0 : index
    %get3A_388 = arith.index_cast %get3A_386 : i32 to index
    %get3A_389 = arith.constant 0 : index
    %get3A_390 = arith.constant 0 : index
    %get3A_391 = vector.load %arg2[%get3A_387, %get3A_388, %get3A_389, %get3A_390] : memref<1x32x16x168xf32, #tpu.memory_space<vmem>>, vector<1x1x16x168xf32>
    %get3A_392 = vector.shape_cast %get3A_391 : vector<1x1x16x168xf32> to vector<16x168xf32>
    %get3A_393 = arith.constant 129 : index
    %get3A_394 = memref.load %arg1[%get3A_393] : memref<512xi32, #tpu.memory_space<smem>>
    %get3A_395 = arith.constant 0 : index
    %get3A_396 = arith.index_cast %get3A_394 : i32 to index
    %get3A_397 = arith.constant 0 : index
    %get3A_398 = arith.constant 0 : index
    %get3A_399 = vector.load %arg2[%get3A_395, %get3A_396, %get3A_397, %get3A_398] : memref<1x32x16x168xf32, #tpu.memory_space<vmem>>, vector<1x1x16x168xf32>
    %get3A_400 = vector.shape_cast %get3A_399 : vector<1x1x16x168xf32> to vector<16x168xf32>
    %get3A_401 = arith.constant 130 : index
    %get3A_402 = memref.load %arg1[%get3A_401] : memref<512xi32, #tpu.memory_space<smem>>
    %get3A_403 = arith.constant 0 : index
    %get3A_404 = arith.index_cast %get3A_402 : i32 to index
    %get3A_405 = arith.constant 0 : index
    %get3A_406 = arith.constant 0 : index
    %get3A_407 = vector.load %arg2[%get3A_403, %get3A_404, %get3A_405, %get3A_406] : memref<1x32x16x168xf32, #tpu.memory_space<vmem>>, vector<1x1x16x168xf32>
    %get3A_408 = vector.shape_cast %get3A_407 : vector<1x1x16x168xf32> to vector<16x168xf32>
    %concatenate3A_409 = tpu.concatenate %get3A_384, %get3A_392, %get3A_400, %get3A_408 in 0 : vector<16x168xf32>, vector<16x168xf32>, vector<16x168xf32>, vector<16x168xf32> -> vector<64x168xf32>
    %get3A_410 = arith.constant 0 : index
    %get3A_411 = arith.constant 0 : index
    %get3A_412 = vector.load %arg3[%get3A_410, %get3A_411] : memref<96x64xf32, #tpu.memory_space<vmem>>, vector<96x64xf32>
    %dot_general3A_413 = arith.constant dense<0.000000e+00> : vector<168x96xf32>
    %dot_general3A_414 = tpu.matmul %concatenate3A_409, %get3A_412, %dot_general3A_413 {dimension_numbers = #tpu.dot_dimension_numbers<[0], [1], [1], [0], [0, 1, 1, 0], [], []>, transpose_lhs_hint = false} : vector<64x168xf32>, vector<96x64xf32>, vector<168x96xf32> -> vector<168x96xf32>
    %get3A_415 = arith.constant 0 : index
    %get3A_416 = arith.constant 0 : index
    %get3A_417 = vector.load %arg4[%get3A_415, %get3A_416] : memref<1x96xf32, #tpu.memory_space<vmem>>, vector<1x96xf32>
    %add3A_418 = vector.broadcast %get3A_417 : vector<1x96xf32> to vector<168x96xf32>
    %add3A_419 = arith.addf %dot_general3A_414, %add3A_418 : vector<168x96xf32>
    %swap3A_420 = arith.constant 0 : index
    %swap3A_421 = arith.constant 8 : index
    %swap3A_422 = arith.constant 0 : index
    %swap3A_423 = arith.constant 0 : index
    %swap3A_424 = vector.load %arg5[%swap3A_420, %swap3A_421, %swap3A_422, %swap3A_423] : memref<1x32x168x96xf32, #tpu.memory_space<vmem>>, vector<1x1x168x96xf32>
    %swap3A_425 = vector.shape_cast %swap3A_424 : vector<1x1x168x96xf32> to vector<168x96xf32>
    %swap3A_426 = vector.shape_cast %add3A_419 : vector<168x96xf32> to vector<1x1x168x96xf32>
    tpu.vector_store %arg5[%swap3A_420, %swap3A_421, %swap3A_422, %swap3A_423], %swap3A_426 {strides = array<i32>} : memref<1x32x168x96xf32, #tpu.memory_space<vmem>>, vector<1x1x168x96xf32>,
    %get3A_427 = arith.constant 0 : index
    %get3A_428 = arith.constant 9 : index
    %get3A_429 = arith.constant 0 : index
    %get3A_430 = arith.constant 0 : index
    %get3A_431 = vector.load %arg2[%get3A_427, %get3A_428, %get3A_429, %get3A_430] : memref<1x32x16x168xf32, #tpu.memory_space<vmem>>, vector<1x1x16x168xf32>
    %get3A_432 = vector.shape_cast %get3A_431 : vector<1x1x16x168xf32> to vector<16x168xf32>
    %get3A_433 = arith.constant 144 : index
    %get3A_434 = memref.load %arg1[%get3A_433] : memref<512xi32, #tpu.memory_space<smem>>
    %get3A_435 = arith.constant 0 : index
    %get3A_436 = arith.index_cast %get3A_434 : i32 to index
    %get3A_437 = arith.constant 0 : index
    %get3A_438 = arith.constant 0 : index
    %get3A_439 = vector.load %arg2[%get3A_435, %get3A_436, %get3A_437, %get3A_438] : memref<1x32x16x168xf32, #tpu.memory_space<vmem>>, vector<1x1x16x168xf32>
    %get3A_440 = vector.shape_cast %get3A_439 : vector<1x1x16x168xf32> to vector<16x168xf32>
    %get3A_441 = arith.constant 145 : index
    %get3A_442 = memref.load %arg1[%get3A_441] : memref<512xi32, #tpu.memory_space<smem>>
    %get3A_443 = arith.constant 0 : index
    %get3A_444 = arith.index_cast %get3A_442 : i32 to index
    %get3A_445 = arith.constant 0 : index
    %get3A_446 = arith.constant 0 : index
    %get3A_447 = vector.load %arg2[%get3A_443, %get3A_444, %get3A_445, %get3A_446] : memref<1x32x16x168xf32, #tpu.memory_space<vmem>>, vector<1x1x16x168xf32>
    %get3A_448 = vector.shape_cast %get3A_447 : vector<1x1x16x168xf32> to vector<16x168xf32>
    %get3A_449 = arith.constant 146 : index
    %get3A_450 = memref.load %arg1[%get3A_449] : memref<512xi32, #tpu.memory_space<smem>>
    %get3A_451 = arith.constant 0 : index
    %get3A_452 = arith.index_cast %get3A_450 : i32 to index
    %get3A_453 = arith.constant 0 : index
    %get3A_454 = arith.constant 0 : index
    %get3A_455 = vector.load %arg2[%get3A_451, %get3A_452, %get3A_453, %get3A_454] : memref<1x32x16x168xf32, #tpu.memory_space<vmem>>, vector<1x1x16x168xf32>
    %get3A_456 = vector.shape_cast %get3A_455 : vector<1x1x16x168xf32> to vector<16x168xf32>
    %concatenate3A_457 = tpu.concatenate %get3A_432, %get3A_440, %get3A_448, %get3A_456 in 0 : vector<16x168xf32>, vector<16x168xf32>, vector<16x168xf32>, vector<16x168xf32> -> vector<64x168xf32>
    %get3A_458 = arith.constant 0 : index
    %get3A_459 = arith.constant 0 : index
    %get3A_460 = vector.load %arg3[%get3A_458, %get3A_459] : memref<96x64xf32, #tpu.memory_space<vmem>>, vector<96x64xf32>
    %dot_general3A_461 = arith.constant dense<0.000000e+00> : vector<168x96xf32>
    %dot_general3A_462 = tpu.matmul %concatenate3A_457, %get3A_460, %dot_general3A_461 {dimension_numbers = #tpu.dot_dimension_numbers<[0], [1], [1], [0], [0, 1, 1, 0], [], []>, transpose_lhs_hint = false} : vector<64x168xf32>, vector<96x64xf32>, vector<168x96xf32> -> vector<168x96xf32>
    %get3A_463 = arith.constant 0 : index
    %get3A_464 = arith.constant 0 : index
    %get3A_465 = vector.load %arg4[%get3A_463, %get3A_464] : memref<1x96xf32, #tpu.memory_space<vmem>>, vector<1x96xf32>
    %add3A_466 = vector.broadcast %get3A_465 : vector<1x96xf32> to vector<168x96xf32>
    %add3A_467 = arith.addf %dot_general3A_462, %add3A_466 : vector<168x96xf32>
    %swap3A_468 = arith.constant 0 : index
    %swap3A_469 = arith.constant 9 : index
    %swap3A_470 = arith.constant 0 : index
    %swap3A_471 = arith.constant 0 : index
    %swap3A_472 = vector.load %arg5[%swap3A_468, %swap3A_469, %swap3A_470, %swap3A_471] : memref<1x32x168x96xf32, #tpu.memory_space<vmem>>, vector<1x1x168x96xf32>
    %swap3A_473 = vector.shape_cast %swap3A_472 : vector<1x1x168x96xf32> to vector<168x96xf32>
    %swap3A_474 = vector.shape_cast %add3A_467 : vector<168x96xf32> to vector<1x1x168x96xf32>
    tpu.vector_store %arg5[%swap3A_468, %swap3A_469, %swap3A_470, %swap3A_471], %swap3A_474 {strides = array<i32>} : memref<1x32x168x96xf32, #tpu.memory_space<vmem>>, vector<1x1x168x96xf32>,
    %get3A_475 = arith.constant 0 : index
    %get3A_476 = arith.constant 10 : index
    %get3A_477 = arith.constant 0 : index
    %get3A_478 = arith.constant 0 : index
    %get3A_479 = vector.load %arg2[%get3A_475, %get3A_476, %get3A_477, %get3A_478] : memref<1x32x16x168xf32, #tpu.memory_space<vmem>>, vector<1x1x16x168xf32>
    %get3A_480 = vector.shape_cast %get3A_479 : vector<1x1x16x168xf32> to vector<16x168xf32>
    %get3A_481 = arith.constant 160 : index
    %get3A_482 = memref.load %arg1[%get3A_481] : memref<512xi32, #tpu.memory_space<smem>>
    %get3A_483 = arith.constant 0 : index
    %get3A_484 = arith.index_cast %get3A_482 : i32 to index
    %get3A_485 = arith.constant 0 : index
    %get3A_486 = arith.constant 0 : index
    %get3A_487 = vector.load %arg2[%get3A_483, %get3A_484, %get3A_485, %get3A_486] : memref<1x32x16x168xf32, #tpu.memory_space<vmem>>, vector<1x1x16x168xf32>
    %get3A_488 = vector.shape_cast %get3A_487 : vector<1x1x16x168xf32> to vector<16x168xf32>
    %get3A_489 = arith.constant 161 : index
    %get3A_490 = memref.load %arg1[%get3A_489] : memref<512xi32, #tpu.memory_space<smem>>
    %get3A_491 = arith.constant 0 : index
    %get3A_492 = arith.index_cast %get3A_490 : i32 to index
    %get3A_493 = arith.constant 0 : index
    %get3A_494 = arith.constant 0 : index
    %get3A_495 = vector.load %arg2[%get3A_491, %get3A_492, %get3A_493, %get3A_494] : memref<1x32x16x168xf32, #tpu.memory_space<vmem>>, vector<1x1x16x168xf32>
    %get3A_496 = vector.shape_cast %get3A_495 : vector<1x1x16x168xf32> to vector<16x168xf32>
    %get3A_497 = arith.constant 162 : index
    %get3A_498 = memref.load %arg1[%get3A_497] : memref<512xi32, #tpu.memory_space<smem>>
    %get3A_499 = arith.constant 0 : index
    %get3A_500 = arith.index_cast %get3A_498 : i32 to index
    %get3A_501 = arith.constant 0 : index
    %get3A_502 = arith.constant 0 : index
    %get3A_503 = vector.load %arg2[%get3A_499, %get3A_500, %get3A_501, %get3A_502] : memref<1x32x16x168xf32, #tpu.memory_space<vmem>>, vector<1x1x16x168xf32>
    %get3A_504 = vector.shape_cast %get3A_503 : vector<1x1x16x168xf32> to vector<16x168xf32>
    %concatenate3A_505 = tpu.concatenate %get3A_480, %get3A_488, %get3A_496, %get3A_504 in 0 : vector<16x168xf32>, vector<16x168xf32>, vector<16x168xf32>, vector<16x168xf32> -> vector<64x168xf32>
    %get3A_506 = arith.constant 0 : index
    %get3A_507 = arith.constant 0 : index
    %get3A_508 = vector.load %arg3[%get3A_506, %get3A_507] : memref<96x64xf32, #tpu.memory_space<vmem>>, vector<96x64xf32>
    %dot_general3A_509 = arith.constant dense<0.000000e+00> : vector<168x96xf32>
    %dot_general3A_510 = tpu.matmul %concatenate3A_505, %get3A_508, %dot_general3A_509 {dimension_numbers = #tpu.dot_dimension_numbers<[0], [1], [1], [0], [0, 1, 1, 0], [], []>, transpose_lhs_hint = false} : vector<64x168xf32>, vector<96x64xf32>, vector<168x96xf32> -> vector<168x96xf32>
    %get3A_511 = arith.constant 0 : index
    %get3A_512 = arith.constant 0 : index
    %get3A_513 = vector.load %arg4[%get3A_511, %get3A_512] : memref<1x96xf32, #tpu.memory_space<vmem>>, vector<1x96xf32>
    %add3A_514 = vector.broadcast %get3A_513 : vector<1x96xf32> to vector<168x96xf32>
    %add3A_515 = arith.addf %dot_general3A_510, %add3A_514 : vector<168x96xf32>
    %swap3A_516 = arith.constant 0 : index
    %swap3A_517 = arith.constant 10 : index
    %swap3A_518 = arith.constant 0 : index
    %swap3A_519 = arith.constant 0 : index
    %swap3A_520 = vector.load %arg5[%swap3A_516, %swap3A_517, %swap3A_518, %swap3A_519] : memref<1x32x168x96xf32, #tpu.memory_space<vmem>>, vector<1x1x168x96xf32>
    %swap3A_521 = vector.shape_cast %swap3A_520 : vector<1x1x168x96xf32> to vector<168x96xf32>
    %swap3A_522 = vector.shape_cast %add3A_515 : vector<168x96xf32> to vector<1x1x168x96xf32>
    tpu.vector_store %arg5[%swap3A_516, %swap3A_517, %swap3A_518, %swap3A_519], %swap3A_522 {strides = array<i32>} : memref<1x32x168x96xf32, #tpu.memory_space<vmem>>, vector<1x1x168x96xf32>,
    %get3A_523 = arith.constant 0 : index
    %get3A_524 = arith.constant 11 : index
    %get3A_525 = arith.constant 0 : index
    %get3A_526 = arith.constant 0 : index
    %get3A_527 = vector.load %arg2[%get3A_523, %get3A_524, %get3A_525, %get3A_526] : memref<1x32x16x168xf32, #tpu.memory_space<vmem>>, vector<1x1x16x168xf32>
    %get3A_528 = vector.shape_cast %get3A_527 : vector<1x1x16x168xf32> to vector<16x168xf32>
    %get3A_529 = arith.constant 176 : index
    %get3A_530 = memref.load %arg1[%get3A_529] : memref<512xi32, #tpu.memory_space<smem>>
    %get3A_531 = arith.constant 0 : index
    %get3A_532 = arith.index_cast %get3A_530 : i32 to index
    %get3A_533 = arith.constant 0 : index
    %get3A_534 = arith.constant 0 : index
    %get3A_535 = vector.load %arg2[%get3A_531, %get3A_532, %get3A_533, %get3A_534] : memref<1x32x16x168xf32, #tpu.memory_space<vmem>>, vector<1x1x16x168xf32>
    %get3A_536 = vector.shape_cast %get3A_535 : vector<1x1x16x168xf32> to vector<16x168xf32>
    %get3A_537 = arith.constant 177 : index
    %get3A_538 = memref.load %arg1[%get3A_537] : memref<512xi32, #tpu.memory_space<smem>>
    %get3A_539 = arith.constant 0 : index
    %get3A_540 = arith.index_cast %get3A_538 : i32 to index
    %get3A_541 = arith.constant 0 : index
    %get3A_542 = arith.constant 0 : index
    %get3A_543 = vector.load %arg2[%get3A_539, %get3A_540, %get3A_541, %get3A_542] : memref<1x32x16x168xf32, #tpu.memory_space<vmem>>, vector<1x1x16x168xf32>
    %get3A_544 = vector.shape_cast %get3A_543 : vector<1x1x16x168xf32> to vector<16x168xf32>
    %get3A_545 = arith.constant 178 : index
    %get3A_546 = memref.load %arg1[%get3A_545] : memref<512xi32, #tpu.memory_space<smem>>
    %get3A_547 = arith.constant 0 : index
    %get3A_548 = arith.index_cast %get3A_546 : i32 to index
    %get3A_549 = arith.constant 0 : index
    %get3A_550 = arith.constant 0 : index
    %get3A_551 = vector.load %arg2[%get3A_547, %get3A_548, %get3A_549, %get3A_550] : memref<1x32x16x168xf32, #tpu.memory_space<vmem>>, vector<1x1x16x168xf32>
    %get3A_552 = vector.shape_cast %get3A_551 : vector<1x1x16x168xf32> to vector<16x168xf32>
    %concatenate3A_553 = tpu.concatenate %get3A_528, %get3A_536, %get3A_544, %get3A_552 in 0 : vector<16x168xf32>, vector<16x168xf32>, vector<16x168xf32>, vector<16x168xf32> -> vector<64x168xf32>
    %get3A_554 = arith.constant 0 : index
    %get3A_555 = arith.constant 0 : index
    %get3A_556 = vector.load %arg3[%get3A_554, %get3A_555] : memref<96x64xf32, #tpu.memory_space<vmem>>, vector<96x64xf32>
    %dot_general3A_557 = arith.constant dense<0.000000e+00> : vector<168x96xf32>
    %dot_general3A_558 = tpu.matmul %concatenate3A_553, %get3A_556, %dot_general3A_557 {dimension_numbers = #tpu.dot_dimension_numbers<[0], [1], [1], [0], [0, 1, 1, 0], [], []>, transpose_lhs_hint = false} : vector<64x168xf32>, vector<96x64xf32>, vector<168x96xf32> -> vector<168x96xf32>
    %get3A_559 = arith.constant 0 : index
    %get3A_560 = arith.constant 0 : index
    %get3A_561 = vector.load %arg4[%get3A_559, %get3A_560] : memref<1x96xf32, #tpu.memory_space<vmem>>, vector<1x96xf32>
    %add3A_562 = vector.broadcast %get3A_561 : vector<1x96xf32> to vector<168x96xf32>
    %add3A_563 = arith.addf %dot_general3A_558, %add3A_562 : vector<168x96xf32>
    %swap3A_564 = arith.constant 0 : index
    %swap3A_565 = arith.constant 11 : index
    %swap3A_566 = arith.constant 0 : index
    %swap3A_567 = arith.constant 0 : index
    %swap3A_568 = vector.load %arg5[%swap3A_564, %swap3A_565, %swap3A_566, %swap3A_567] : memref<1x32x168x96xf32, #tpu.memory_space<vmem>>, vector<1x1x168x96xf32>
    %swap3A_569 = vector.shape_cast %swap3A_568 : vector<1x1x168x96xf32> to vector<168x96xf32>
    %swap3A_570 = vector.shape_cast %add3A_563 : vector<168x96xf32> to vector<1x1x168x96xf32>
    tpu.vector_store %arg5[%swap3A_564, %swap3A_565, %swap3A_566, %swap3A_567], %swap3A_570 {strides = array<i32>} : memref<1x32x168x96xf32, #tpu.memory_space<vmem>>, vector<1x1x168x96xf32>,
    %get3A_571 = arith.constant 0 : index
    %get3A_572 = arith.constant 12 : index
    %get3A_573 = arith.constant 0 : index
    %get3A_574 = arith.constant 0 : index
    %get3A_575 = vector.load %arg2[%get3A_571, %get3A_572, %get3A_573, %get3A_574] : memref<1x32x16x168xf32, #tpu.memory_space<vmem>>, vector<1x1x16x168xf32>
    %get3A_576 = vector.shape_cast %get3A_575 : vector<1x1x16x168xf32> to vector<16x168xf32>
    %get3A_577 = arith.constant 192 : index
    %get3A_578 = memref.load %arg1[%get3A_577] : memref<512xi32, #tpu.memory_space<smem>>
    %get3A_579 = arith.constant 0 : index
    %get3A_580 = arith.index_cast %get3A_578 : i32 to index
    %get3A_581 = arith.constant 0 : index
    %get3A_582 = arith.constant 0 : index
    %get3A_583 = vector.load %arg2[%get3A_579, %get3A_580, %get3A_581, %get3A_582] : memref<1x32x16x168xf32, #tpu.memory_space<vmem>>, vector<1x1x16x168xf32>
    %get3A_584 = vector.shape_cast %get3A_583 : vector<1x1x16x168xf32> to vector<16x168xf32>
    %get3A_585 = arith.constant 193 : index
    %get3A_586 = memref.load %arg1[%get3A_585] : memref<512xi32, #tpu.memory_space<smem>>
    %get3A_587 = arith.constant 0 : index
    %get3A_588 = arith.index_cast %get3A_586 : i32 to index
    %get3A_589 = arith.constant 0 : index
    %get3A_590 = arith.constant 0 : index
    %get3A_591 = vector.load %arg2[%get3A_587, %get3A_588, %get3A_589, %get3A_590] : memref<1x32x16x168xf32, #tpu.memory_space<vmem>>, vector<1x1x16x168xf32>
    %get3A_592 = vector.shape_cast %get3A_591 : vector<1x1x16x168xf32> to vector<16x168xf32>
    %get3A_593 = arith.constant 194 : index
    %get3A_594 = memref.load %arg1[%get3A_593] : memref<512xi32, #tpu.memory_space<smem>>
    %get3A_595 = arith.constant 0 : index
    %get3A_596 = arith.index_cast %get3A_594 : i32 to index
    %get3A_597 = arith.constant 0 : index
    %get3A_598 = arith.constant 0 : index
    %get3A_599 = vector.load %arg2[%get3A_595, %get3A_596, %get3A_597, %get3A_598] : memref<1x32x16x168xf32, #tpu.memory_space<vmem>>, vector<1x1x16x168xf32>
    %get3A_600 = vector.shape_cast %get3A_599 : vector<1x1x16x168xf32> to vector<16x168xf32>
    %concatenate3A_601 = tpu.concatenate %get3A_576, %get3A_584, %get3A_592, %get3A_600 in 0 : vector<16x168xf32>, vector<16x168xf32>, vector<16x168xf32>, vector<16x168xf32> -> vector<64x168xf32>
    %get3A_602 = arith.constant 0 : index
    %get3A_603 = arith.constant 0 : index
    %get3A_604 = vector.load %arg3[%get3A_602, %get3A_603] : memref<96x64xf32, #tpu.memory_space<vmem>>, vector<96x64xf32>
    %dot_general3A_605 = arith.constant dense<0.000000e+00> : vector<168x96xf32>
    %dot_general3A_606 = tpu.matmul %concatenate3A_601, %get3A_604, %dot_general3A_605 {dimension_numbers = #tpu.dot_dimension_numbers<[0], [1], [1], [0], [0, 1, 1, 0], [], []>, transpose_lhs_hint = false} : vector<64x168xf32>, vector<96x64xf32>, vector<168x96xf32> -> vector<168x96xf32>
    %get3A_607 = arith.constant 0 : index
    %get3A_608 = arith.constant 0 : index
    %get3A_609 = vector.load %arg4[%get3A_607, %get3A_608] : memref<1x96xf32, #tpu.memory_space<vmem>>, vector<1x96xf32>
    %add3A_610 = vector.broadcast %get3A_609 : vector<1x96xf32> to vector<168x96xf32>
    %add3A_611 = arith.addf %dot_general3A_606, %add3A_610 : vector<168x96xf32>
    %swap3A_612 = arith.constant 0 : index
    %swap3A_613 = arith.constant 12 : index
    %swap3A_614 = arith.constant 0 : index
    %swap3A_615 = arith.constant 0 : index
    %swap3A_616 = vector.load %arg5[%swap3A_612, %swap3A_613, %swap3A_614, %swap3A_615] : memref<1x32x168x96xf32, #tpu.memory_space<vmem>>, vector<1x1x168x96xf32>
    %swap3A_617 = vector.shape_cast %swap3A_616 : vector<1x1x168x96xf32> to vector<168x96xf32>
    %swap3A_618 = vector.shape_cast %add3A_611 : vector<168x96xf32> to vector<1x1x168x96xf32>
    tpu.vector_store %arg5[%swap3A_612, %swap3A_613, %swap3A_614, %swap3A_615], %swap3A_618 {strides = array<i32>} : memref<1x32x168x96xf32, #tpu.memory_space<vmem>>, vector<1x1x168x96xf32>,
    %get3A_619 = arith.constant 0 : index
    %get3A_620 = arith.constant 13 : index
    %get3A_621 = arith.constant 0 : index
    %get3A_622 = arith.constant 0 : index
    %get3A_623 = vector.load %arg2[%get3A_619, %get3A_620, %get3A_621, %get3A_622] : memref<1x32x16x168xf32, #tpu.memory_space<vmem>>, vector<1x1x16x168xf32>
    %get3A_624 = vector.shape_cast %get3A_623 : vector<1x1x16x168xf32> to vector<16x168xf32>
    %get3A_625 = arith.constant 208 : index
    %get3A_626 = memref.load %arg1[%get3A_625] : memref<512xi32, #tpu.memory_space<smem>>
    %get3A_627 = arith.constant 0 : index
    %get3A_628 = arith.index_cast %get3A_626 : i32 to index
    %get3A_629 = arith.constant 0 : index
    %get3A_630 = arith.constant 0 : index
    %get3A_631 = vector.load %arg2[%get3A_627, %get3A_628, %get3A_629, %get3A_630] : memref<1x32x16x168xf32, #tpu.memory_space<vmem>>, vector<1x1x16x168xf32>
    %get3A_632 = vector.shape_cast %get3A_631 : vector<1x1x16x168xf32> to vector<16x168xf32>
    %get3A_633 = arith.constant 209 : index
    %get3A_634 = memref.load %arg1[%get3A_633] : memref<512xi32, #tpu.memory_space<smem>>
    %get3A_635 = arith.constant 0 : index
    %get3A_636 = arith.index_cast %get3A_634 : i32 to index
    %get3A_637 = arith.constant 0 : index
    %get3A_638 = arith.constant 0 : index
    %get3A_639 = vector.load %arg2[%get3A_635, %get3A_636, %get3A_637, %get3A_638] : memref<1x32x16x168xf32, #tpu.memory_space<vmem>>, vector<1x1x16x168xf32>
    %get3A_640 = vector.shape_cast %get3A_639 : vector<1x1x16x168xf32> to vector<16x168xf32>
    %get3A_641 = arith.constant 210 : index
    %get3A_642 = memref.load %arg1[%get3A_641] : memref<512xi32, #tpu.memory_space<smem>>
    %get3A_643 = arith.constant 0 : index
    %get3A_644 = arith.index_cast %get3A_642 : i32 to index
    %get3A_645 = arith.constant 0 : index
    %get3A_646 = arith.constant 0 : index
    %get3A_647 = vector.load %arg2[%get3A_643, %get3A_644, %get3A_645, %get3A_646] : memref<1x32x16x168xf32, #tpu.memory_space<vmem>>, vector<1x1x16x168xf32>
    %get3A_648 = vector.shape_cast %get3A_647 : vector<1x1x16x168xf32> to vector<16x168xf32>
    %concatenate3A_649 = tpu.concatenate %get3A_624, %get3A_632, %get3A_640, %get3A_648 in 0 : vector<16x168xf32>, vector<16x168xf32>, vector<16x168xf32>, vector<16x168xf32> -> vector<64x168xf32>
    %get3A_650 = arith.constant 0 : index
    %get3A_651 = arith.constant 0 : index
    %get3A_652 = vector.load %arg3[%get3A_650, %get3A_651] : memref<96x64xf32, #tpu.memory_space<vmem>>, vector<96x64xf32>
    %dot_general3A_653 = arith.constant dense<0.000000e+00> : vector<168x96xf32>
    %dot_general3A_654 = tpu.matmul %concatenate3A_649, %get3A_652, %dot_general3A_653 {dimension_numbers = #tpu.dot_dimension_numbers<[0], [1], [1], [0], [0, 1, 1, 0], [], []>, transpose_lhs_hint = false} : vector<64x168xf32>, vector<96x64xf32>, vector<168x96xf32> -> vector<168x96xf32>
    %get3A_655 = arith.constant 0 : index
    %get3A_656 = arith.constant 0 : index
    %get3A_657 = vector.load %arg4[%get3A_655, %get3A_656] : memref<1x96xf32, #tpu.memory_space<vmem>>, vector<1x96xf32>
    %add3A_658 = vector.broadcast %get3A_657 : vector<1x96xf32> to vector<168x96xf32>
    %add3A_659 = arith.addf %dot_general3A_654, %add3A_658 : vector<168x96xf32>
    %swap3A_660 = arith.constant 0 : index
    %swap3A_661 = arith.constant 13 : index
    %swap3A_662 = arith.constant 0 : index
    %swap3A_663 = arith.constant 0 : index
    %swap3A_664 = vector.load %arg5[%swap3A_660, %swap3A_661, %swap3A_662, %swap3A_663] : memref<1x32x168x96xf32, #tpu.memory_space<vmem>>, vector<1x1x168x96xf32>
    %swap3A_665 = vector.shape_cast %swap3A_664 : vector<1x1x168x96xf32> to vector<168x96xf32>
    %swap3A_666 = vector.shape_cast %add3A_659 : vector<168x96xf32> to vector<1x1x168x96xf32>
    tpu.vector_store %arg5[%swap3A_660, %swap3A_661, %swap3A_662, %swap3A_663], %swap3A_666 {strides = array<i32>} : memref<1x32x168x96xf32, #tpu.memory_space<vmem>>, vector<1x1x168x96xf32>,
    %get3A_667 = arith.constant 0 : index
    %get3A_668 = arith.constant 14 : index
    %get3A_669 = arith.constant 0 : index
    %get3A_670 = arith.constant 0 : index
    %get3A_671 = vector.load %arg2[%get3A_667, %get3A_668, %get3A_669, %get3A_670] : memref<1x32x16x168xf32, #tpu.memory_space<vmem>>, vector<1x1x16x168xf32>
    %get3A_672 = vector.shape_cast %get3A_671 : vector<1x1x16x168xf32> to vector<16x168xf32>
    %get3A_673 = arith.constant 224 : index
    %get3A_674 = memref.load %arg1[%get3A_673] : memref<512xi32, #tpu.memory_space<smem>>
    %get3A_675 = arith.constant 0 : index
    %get3A_676 = arith.index_cast %get3A_674 : i32 to index
    %get3A_677 = arith.constant 0 : index
    %get3A_678 = arith.constant 0 : index
    %get3A_679 = vector.load %arg2[%get3A_675, %get3A_676, %get3A_677, %get3A_678] : memref<1x32x16x168xf32, #tpu.memory_space<vmem>>, vector<1x1x16x168xf32>
    %get3A_680 = vector.shape_cast %get3A_679 : vector<1x1x16x168xf32> to vector<16x168xf32>
    %get3A_681 = arith.constant 225 : index
    %get3A_682 = memref.load %arg1[%get3A_681] : memref<512xi32, #tpu.memory_space<smem>>
    %get3A_683 = arith.constant 0 : index
    %get3A_684 = arith.index_cast %get3A_682 : i32 to index
    %get3A_685 = arith.constant 0 : index
    %get3A_686 = arith.constant 0 : index
    %get3A_687 = vector.load %arg2[%get3A_683, %get3A_684, %get3A_685, %get3A_686] : memref<1x32x16x168xf32, #tpu.memory_space<vmem>>, vector<1x1x16x168xf32>
    %get3A_688 = vector.shape_cast %get3A_687 : vector<1x1x16x168xf32> to vector<16x168xf32>
    %get3A_689 = arith.constant 226 : index
    %get3A_690 = memref.load %arg1[%get3A_689] : memref<512xi32, #tpu.memory_space<smem>>
    %get3A_691 = arith.constant 0 : index
    %get3A_692 = arith.index_cast %get3A_690 : i32 to index
    %get3A_693 = arith.constant 0 : index
    %get3A_694 = arith.constant 0 : index
    %get3A_695 = vector.load %arg2[%get3A_691, %get3A_692, %get3A_693, %get3A_694] : memref<1x32x16x168xf32, #tpu.memory_space<vmem>>, vector<1x1x16x168xf32>
    %get3A_696 = vector.shape_cast %get3A_695 : vector<1x1x16x168xf32> to vector<16x168xf32>
    %concatenate3A_697 = tpu.concatenate %get3A_672, %get3A_680, %get3A_688, %get3A_696 in 0 : vector<16x168xf32>, vector<16x168xf32>, vector<16x168xf32>, vector<16x168xf32> -> vector<64x168xf32>
    %get3A_698 = arith.constant 0 : index
    %get3A_699 = arith.constant 0 : index
    %get3A_700 = vector.load %arg3[%get3A_698, %get3A_699] : memref<96x64xf32, #tpu.memory_space<vmem>>, vector<96x64xf32>
    %dot_general3A_701 = arith.constant dense<0.000000e+00> : vector<168x96xf32>
    %dot_general3A_702 = tpu.matmul %concatenate3A_697, %get3A_700, %dot_general3A_701 {dimension_numbers = #tpu.dot_dimension_numbers<[0], [1], [1], [0], [0, 1, 1, 0], [], []>, transpose_lhs_hint = false} : vector<64x168xf32>, vector<96x64xf32>, vector<168x96xf32> -> vector<168x96xf32>
    %get3A_703 = arith.constant 0 : index
    %get3A_704 = arith.constant 0 : index
    %get3A_705 = vector.load %arg4[%get3A_703, %get3A_704] : memref<1x96xf32, #tpu.memory_space<vmem>>, vector<1x96xf32>
    %add3A_706 = vector.broadcast %get3A_705 : vector<1x96xf32> to vector<168x96xf32>
    %add3A_707 = arith.addf %dot_general3A_702, %add3A_706 : vector<168x96xf32>
    %swap3A_708 = arith.constant 0 : index
    %swap3A_709 = arith.constant 14 : index
    %swap3A_710 = arith.constant 0 : index
    %swap3A_711 = arith.constant 0 : index
    %swap3A_712 = vector.load %arg5[%swap3A_708, %swap3A_709, %swap3A_710, %swap3A_711] : memref<1x32x168x96xf32, #tpu.memory_space<vmem>>, vector<1x1x168x96xf32>
    %swap3A_713 = vector.shape_cast %swap3A_712 : vector<1x1x168x96xf32> to vector<168x96xf32>
    %swap3A_714 = vector.shape_cast %add3A_707 : vector<168x96xf32> to vector<1x1x168x96xf32>
    tpu.vector_store %arg5[%swap3A_708, %swap3A_709, %swap3A_710, %swap3A_711], %swap3A_714 {strides = array<i32>} : memref<1x32x168x96xf32, #tpu.memory_space<vmem>>, vector<1x1x168x96xf32>,
    %get3A_715 = arith.constant 0 : index
    %get3A_716 = arith.constant 15 : index
    %get3A_717 = arith.constant 0 : index
    %get3A_718 = arith.constant 0 : index
    %get3A_719 = vector.load %arg2[%get3A_715, %get3A_716, %get3A_717, %get3A_718] : memref<1x32x16x168xf32, #tpu.memory_space<vmem>>, vector<1x1x16x168xf32>
    %get3A_720 = vector.shape_cast %get3A_719 : vector<1x1x16x168xf32> to vector<16x168xf32>
    %get3A_721 = arith.constant 240 : index
    %get3A_722 = memref.load %arg1[%get3A_721] : memref<512xi32, #tpu.memory_space<smem>>
    %get3A_723 = arith.constant 0 : index
    %get3A_724 = arith.index_cast %get3A_722 : i32 to index
    %get3A_725 = arith.constant 0 : index
    %get3A_726 = arith.constant 0 : index
    %get3A_727 = vector.load %arg2[%get3A_723, %get3A_724, %get3A_725, %get3A_726] : memref<1x32x16x168xf32, #tpu.memory_space<vmem>>, vector<1x1x16x168xf32>
    %get3A_728 = vector.shape_cast %get3A_727 : vector<1x1x16x168xf32> to vector<16x168xf32>
    %get3A_729 = arith.constant 241 : index
    %get3A_730 = memref.load %arg1[%get3A_729] : memref<512xi32, #tpu.memory_space<smem>>
    %get3A_731 = arith.constant 0 : index
    %get3A_732 = arith.index_cast %get3A_730 : i32 to index
    %get3A_733 = arith.constant 0 : index
    %get3A_734 = arith.constant 0 : index
    %get3A_735 = vector.load %arg2[%get3A_731, %get3A_732, %get3A_733, %get3A_734] : memref<1x32x16x168xf32, #tpu.memory_space<vmem>>, vector<1x1x16x168xf32>
    %get3A_736 = vector.shape_cast %get3A_735 : vector<1x1x16x168xf32> to vector<16x168xf32>
    %get3A_737 = arith.constant 242 : index
    %get3A_738 = memref.load %arg1[%get3A_737] : memref<512xi32, #tpu.memory_space<smem>>
    %get3A_739 = arith.constant 0 : index
    %get3A_740 = arith.index_cast %get3A_738 : i32 to index
    %get3A_741 = arith.constant 0 : index
    %get3A_742 = arith.constant 0 : index
    %get3A_743 = vector.load %arg2[%get3A_739, %get3A_740, %get3A_741, %get3A_742] : memref<1x32x16x168xf32, #tpu.memory_space<vmem>>, vector<1x1x16x168xf32>
    %get3A_744 = vector.shape_cast %get3A_743 : vector<1x1x16x168xf32> to vector<16x168xf32>
    %concatenate3A_745 = tpu.concatenate %get3A_720, %get3A_728, %get3A_736, %get3A_744 in 0 : vector<16x168xf32>, vector<16x168xf32>, vector<16x168xf32>, vector<16x168xf32> -> vector<64x168xf32>
    %get3A_746 = arith.constant 0 : index
    %get3A_747 = arith.constant 0 : index
    %get3A_748 = vector.load %arg3[%get3A_746, %get3A_747] : memref<96x64xf32, #tpu.memory_space<vmem>>, vector<96x64xf32>
    %dot_general3A_749 = arith.constant dense<0.000000e+00> : vector<168x96xf32>
    %dot_general3A_750 = tpu.matmul %concatenate3A_745, %get3A_748, %dot_general3A_749 {dimension_numbers = #tpu.dot_dimension_numbers<[0], [1], [1], [0], [0, 1, 1, 0], [], []>, transpose_lhs_hint = false} : vector<64x168xf32>, vector<96x64xf32>, vector<168x96xf32> -> vector<168x96xf32>
    %get3A_751 = arith.constant 0 : index
    %get3A_752 = arith.constant 0 : index
    %get3A_753 = vector.load %arg4[%get3A_751, %get3A_752] : memref<1x96xf32, #tpu.memory_space<vmem>>, vector<1x96xf32>
    %add3A_754 = vector.broadcast %get3A_753 : vector<1x96xf32> to vector<168x96xf32>
    %add3A_755 = arith.addf %dot_general3A_750, %add3A_754 : vector<168x96xf32>
    %swap3A_756 = arith.constant 0 : index
    %swap3A_757 = arith.constant 15 : index
    %swap3A_758 = arith.constant 0 : index
    %swap3A_759 = arith.constant 0 : index
    %swap3A_760 = vector.load %arg5[%swap3A_756, %swap3A_757, %swap3A_758, %swap3A_759] : memref<1x32x168x96xf32, #tpu.memory_space<vmem>>, vector<1x1x168x96xf32>
    %swap3A_761 = vector.shape_cast %swap3A_760 : vector<1x1x168x96xf32> to vector<168x96xf32>
    %swap3A_762 = vector.shape_cast %add3A_755 : vector<168x96xf32> to vector<1x1x168x96xf32>
    tpu.vector_store %arg5[%swap3A_756, %swap3A_757, %swap3A_758, %swap3A_759], %swap3A_762 {strides = array<i32>} : memref<1x32x168x96xf32, #tpu.memory_space<vmem>>, vector<1x1x168x96xf32>,
    %get3A_763 = arith.constant 0 : index
    %get3A_764 = arith.constant 16 : index
    %get3A_765 = arith.constant 0 : index
    %get3A_766 = arith.constant 0 : index
    %get3A_767 = vector.load %arg2[%get3A_763, %get3A_764, %get3A_765, %get3A_766] : memref<1x32x16x168xf32, #tpu.memory_space<vmem>>, vector<1x1x16x168xf32>
    %get3A_768 = vector.shape_cast %get3A_767 : vector<1x1x16x168xf32> to vector<16x168xf32>
    %get3A_769 = arith.constant 256 : index
    %get3A_770 = memref.load %arg1[%get3A_769] : memref<512xi32, #tpu.memory_space<smem>>
    %get3A_771 = arith.constant 0 : index
    %get3A_772 = arith.index_cast %get3A_770 : i32 to index
    %get3A_773 = arith.constant 0 : index
    %get3A_774 = arith.constant 0 : index
    %get3A_775 = vector.load %arg2[%get3A_771, %get3A_772, %get3A_773, %get3A_774] : memref<1x32x16x168xf32, #tpu.memory_space<vmem>>, vector<1x1x16x168xf32>
    %get3A_776 = vector.shape_cast %get3A_775 : vector<1x1x16x168xf32> to vector<16x168xf32>
    %get3A_777 = arith.constant 257 : index
    %get3A_778 = memref.load %arg1[%get3A_777] : memref<512xi32, #tpu.memory_space<smem>>
    %get3A_779 = arith.constant 0 : index
    %get3A_780 = arith.index_cast %get3A_778 : i32 to index
    %get3A_781 = arith.constant 0 : index
    %get3A_782 = arith.constant 0 : index
    %get3A_783 = vector.load %arg2[%get3A_779, %get3A_780, %get3A_781, %get3A_782] : memref<1x32x16x168xf32, #tpu.memory_space<vmem>>, vector<1x1x16x168xf32>
    %get3A_784 = vector.shape_cast %get3A_783 : vector<1x1x16x168xf32> to vector<16x168xf32>
    %get3A_785 = arith.constant 258 : index
    %get3A_786 = memref.load %arg1[%get3A_785] : memref<512xi32, #tpu.memory_space<smem>>
    %get3A_787 = arith.constant 0 : index
    %get3A_788 = arith.index_cast %get3A_786 : i32 to index
    %get3A_789 = arith.constant 0 : index
    %get3A_790 = arith.constant 0 : index
    %get3A_791 = vector.load %arg2[%get3A_787, %get3A_788, %get3A_789, %get3A_790] : memref<1x32x16x168xf32, #tpu.memory_space<vmem>>, vector<1x1x16x168xf32>
    %get3A_792 = vector.shape_cast %get3A_791 : vector<1x1x16x168xf32> to vector<16x168xf32>
    %concatenate3A_793 = tpu.concatenate %get3A_768, %get3A_776, %get3A_784, %get3A_792 in 0 : vector<16x168xf32>, vector<16x168xf32>, vector<16x168xf32>, vector<16x168xf32> -> vector<64x168xf32>
    %get3A_794 = arith.constant 0 : index
    %get3A_795 = arith.constant 0 : index
    %get3A_796 = vector.load %arg3[%get3A_794, %get3A_795] : memref<96x64xf32, #tpu.memory_space<vmem>>, vector<96x64xf32>
    %dot_general3A_797 = arith.constant dense<0.000000e+00> : vector<168x96xf32>
    %dot_general3A_798 = tpu.matmul %concatenate3A_793, %get3A_796, %dot_general3A_797 {dimension_numbers = #tpu.dot_dimension_numbers<[0], [1], [1], [0], [0, 1, 1, 0], [], []>, transpose_lhs_hint = false} : vector<64x168xf32>, vector<96x64xf32>, vector<168x96xf32> -> vector<168x96xf32>
    %get3A_799 = arith.constant 0 : index
    %get3A_800 = arith.constant 0 : index
    %get3A_801 = vector.load %arg4[%get3A_799, %get3A_800] : memref<1x96xf32, #tpu.memory_space<vmem>>, vector<1x96xf32>
    %add3A_802 = vector.broadcast %get3A_801 : vector<1x96xf32> to vector<168x96xf32>
    %add3A_803 = arith.addf %dot_general3A_798, %add3A_802 : vector<168x96xf32>
    %swap3A_804 = arith.constant 0 : index
    %swap3A_805 = arith.constant 16 : index
    %swap3A_806 = arith.constant 0 : index
    %swap3A_807 = arith.constant 0 : index
    %swap3A_808 = vector.load %arg5[%swap3A_804, %swap3A_805, %swap3A_806, %swap3A_807] : memref<1x32x168x96xf32, #tpu.memory_space<vmem>>, vector<1x1x168x96xf32>
    %swap3A_809 = vector.shape_cast %swap3A_808 : vector<1x1x168x96xf32> to vector<168x96xf32>
    %swap3A_810 = vector.shape_cast %add3A_803 : vector<168x96xf32> to vector<1x1x168x96xf32>
    tpu.vector_store %arg5[%swap3A_804, %swap3A_805, %swap3A_806, %swap3A_807], %swap3A_810 {strides = array<i32>} : memref<1x32x168x96xf32, #tpu.memory_space<vmem>>, vector<1x1x168x96xf32>,
    %get3A_811 = arith.constant 0 : index
    %get3A_812 = arith.constant 17 : index
    %get3A_813 = arith.constant 0 : index
    %get3A_814 = arith.constant 0 : index
    %get3A_815 = vector.load %arg2[%get3A_811, %get3A_812, %get3A_813, %get3A_814] : memref<1x32x16x168xf32, #tpu.memory_space<vmem>>, vector<1x1x16x168xf32>
    %get3A_816 = vector.shape_cast %get3A_815 : vector<1x1x16x168xf32> to vector<16x168xf32>
    %get3A_817 = arith.constant 272 : index
    %get3A_818 = memref.load %arg1[%get3A_817] : memref<512xi32, #tpu.memory_space<smem>>
    %get3A_819 = arith.constant 0 : index
    %get3A_820 = arith.index_cast %get3A_818 : i32 to index
    %get3A_821 = arith.constant 0 : index
    %get3A_822 = arith.constant 0 : index
    %get3A_823 = vector.load %arg2[%get3A_819, %get3A_820, %get3A_821, %get3A_822] : memref<1x32x16x168xf32, #tpu.memory_space<vmem>>, vector<1x1x16x168xf32>
    %get3A_824 = vector.shape_cast %get3A_823 : vector<1x1x16x168xf32> to vector<16x168xf32>
    %get3A_825 = arith.constant 273 : index
    %get3A_826 = memref.load %arg1[%get3A_825] : memref<512xi32, #tpu.memory_space<smem>>
    %get3A_827 = arith.constant 0 : index
    %get3A_828 = arith.index_cast %get3A_826 : i32 to index
    %get3A_829 = arith.constant 0 : index
    %get3A_830 = arith.constant 0 : index
    %get3A_831 = vector.load %arg2[%get3A_827, %get3A_828, %get3A_829, %get3A_830] : memref<1x32x16x168xf32, #tpu.memory_space<vmem>>, vector<1x1x16x168xf32>
    %get3A_832 = vector.shape_cast %get3A_831 : vector<1x1x16x168xf32> to vector<16x168xf32>
    %get3A_833 = arith.constant 274 : index
    %get3A_834 = memref.load %arg1[%get3A_833] : memref<512xi32, #tpu.memory_space<smem>>
    %get3A_835 = arith.constant 0 : index
    %get3A_836 = arith.index_cast %get3A_834 : i32 to index
    %get3A_837 = arith.constant 0 : index
    %get3A_838 = arith.constant 0 : index
    %get3A_839 = vector.load %arg2[%get3A_835, %get3A_836, %get3A_837, %get3A_838] : memref<1x32x16x168xf32, #tpu.memory_space<vmem>>, vector<1x1x16x168xf32>
    %get3A_840 = vector.shape_cast %get3A_839 : vector<1x1x16x168xf32> to vector<16x168xf32>
    %concatenate3A_841 = tpu.concatenate %get3A_816, %get3A_824, %get3A_832, %get3A_840 in 0 : vector<16x168xf32>, vector<16x168xf32>, vector<16x168xf32>, vector<16x168xf32> -> vector<64x168xf32>
    %get3A_842 = arith.constant 0 : index
    %get3A_843 = arith.constant 0 : index
    %get3A_844 = vector.load %arg3[%get3A_842, %get3A_843] : memref<96x64xf32, #tpu.memory_space<vmem>>, vector<96x64xf32>
    %dot_general3A_845 = arith.constant dense<0.000000e+00> : vector<168x96xf32>
    %dot_general3A_846 = tpu.matmul %concatenate3A_841, %get3A_844, %dot_general3A_845 {dimension_numbers = #tpu.dot_dimension_numbers<[0], [1], [1], [0], [0, 1, 1, 0], [], []>, transpose_lhs_hint = false} : vector<64x168xf32>, vector<96x64xf32>, vector<168x96xf32> -> vector<168x96xf32>
    %get3A_847 = arith.constant 0 : index
    %get3A_848 = arith.constant 0 : index
    %get3A_849 = vector.load %arg4[%get3A_847, %get3A_848] : memref<1x96xf32, #tpu.memory_space<vmem>>, vector<1x96xf32>
    %add3A_850 = vector.broadcast %get3A_849 : vector<1x96xf32> to vector<168x96xf32>
    %add3A_851 = arith.addf %dot_general3A_846, %add3A_850 : vector<168x96xf32>
    %swap3A_852 = arith.constant 0 : index
    %swap3A_853 = arith.constant 17 : index
    %swap3A_854 = arith.constant 0 : index
    %swap3A_855 = arith.constant 0 : index
    %swap3A_856 = vector.load %arg5[%swap3A_852, %swap3A_853, %swap3A_854, %swap3A_855] : memref<1x32x168x96xf32, #tpu.memory_space<vmem>>, vector<1x1x168x96xf32>
    %swap3A_857 = vector.shape_cast %swap3A_856 : vector<1x1x168x96xf32> to vector<168x96xf32>
    %swap3A_858 = vector.shape_cast %add3A_851 : vector<168x96xf32> to vector<1x1x168x96xf32>
    tpu.vector_store %arg5[%swap3A_852, %swap3A_853, %swap3A_854, %swap3A_855], %swap3A_858 {strides = array<i32>} : memref<1x32x168x96xf32, #tpu.memory_space<vmem>>, vector<1x1x168x96xf32>,
    %get3A_859 = arith.constant 0 : index
    %get3A_860 = arith.constant 18 : index
    %get3A_861 = arith.constant 0 : index
    %get3A_862 = arith.constant 0 : index
    %get3A_863 = vector.load %arg2[%get3A_859, %get3A_860, %get3A_861, %get3A_862] : memref<1x32x16x168xf32, #tpu.memory_space<vmem>>, vector<1x1x16x168xf32>
    %get3A_864 = vector.shape_cast %get3A_863 : vector<1x1x16x168xf32> to vector<16x168xf32>
    %get3A_865 = arith.constant 288 : index
    %get3A_866 = memref.load %arg1[%get3A_865] : memref<512xi32, #tpu.memory_space<smem>>
    %get3A_867 = arith.constant 0 : index
    %get3A_868 = arith.index_cast %get3A_866 : i32 to index
    %get3A_869 = arith.constant 0 : index
    %get3A_870 = arith.constant 0 : index
    %get3A_871 = vector.load %arg2[%get3A_867, %get3A_868, %get3A_869, %get3A_870] : memref<1x32x16x168xf32, #tpu.memory_space<vmem>>, vector<1x1x16x168xf32>
    %get3A_872 = vector.shape_cast %get3A_871 : vector<1x1x16x168xf32> to vector<16x168xf32>
    %get3A_873 = arith.constant 289 : index
    %get3A_874 = memref.load %arg1[%get3A_873] : memref<512xi32, #tpu.memory_space<smem>>
    %get3A_875 = arith.constant 0 : index
    %get3A_876 = arith.index_cast %get3A_874 : i32 to index
    %get3A_877 = arith.constant 0 : index
    %get3A_878 = arith.constant 0 : index
    %get3A_879 = vector.load %arg2[%get3A_875, %get3A_876, %get3A_877, %get3A_878] : memref<1x32x16x168xf32, #tpu.memory_space<vmem>>, vector<1x1x16x168xf32>
    %get3A_880 = vector.shape_cast %get3A_879 : vector<1x1x16x168xf32> to vector<16x168xf32>
    %get3A_881 = arith.constant 290 : index
    %get3A_882 = memref.load %arg1[%get3A_881] : memref<512xi32, #tpu.memory_space<smem>>
    %get3A_883 = arith.constant 0 : index
    %get3A_884 = arith.index_cast %get3A_882 : i32 to index
    %get3A_885 = arith.constant 0 : index
    %get3A_886 = arith.constant 0 : index
    %get3A_887 = vector.load %arg2[%get3A_883, %get3A_884, %get3A_885, %get3A_886] : memref<1x32x16x168xf32, #tpu.memory_space<vmem>>, vector<1x1x16x168xf32>
    %get3A_888 = vector.shape_cast %get3A_887 : vector<1x1x16x168xf32> to vector<16x168xf32>
    %concatenate3A_889 = tpu.concatenate %get3A_864, %get3A_872, %get3A_880, %get3A_888 in 0 : vector<16x168xf32>, vector<16x168xf32>, vector<16x168xf32>, vector<16x168xf32> -> vector<64x168xf32>
    %get3A_890 = arith.constant 0 : index
    %get3A_891 = arith.constant 0 : index
    %get3A_892 = vector.load %arg3[%get3A_890, %get3A_891] : memref<96x64xf32, #tpu.memory_space<vmem>>, vector<96x64xf32>
    %dot_general3A_893 = arith.constant dense<0.000000e+00> : vector<168x96xf32>
    %dot_general3A_894 = tpu.matmul %concatenate3A_889, %get3A_892, %dot_general3A_893 {dimension_numbers = #tpu.dot_dimension_numbers<[0], [1], [1], [0], [0, 1, 1, 0], [], []>, transpose_lhs_hint = false} : vector<64x168xf32>, vector<96x64xf32>, vector<168x96xf32> -> vector<168x96xf32>
    %get3A_895 = arith.constant 0 : index
    %get3A_896 = arith.constant 0 : index
    %get3A_897 = vector.load %arg4[%get3A_895, %get3A_896] : memref<1x96xf32, #tpu.memory_space<vmem>>, vector<1x96xf32>
    %add3A_898 = vector.broadcast %get3A_897 : vector<1x96xf32> to vector<168x96xf32>
    %add3A_899 = arith.addf %dot_general3A_894, %add3A_898 : vector<168x96xf32>
    %swap3A_900 = arith.constant 0 : index
    %swap3A_901 = arith.constant 18 : index
    %swap3A_902 = arith.constant 0 : index
    %swap3A_903 = arith.constant 0 : index
    %swap3A_904 = vector.load %arg5[%swap3A_900, %swap3A_901, %swap3A_902, %swap3A_903] : memref<1x32x168x96xf32, #tpu.memory_space<vmem>>, vector<1x1x168x96xf32>
    %swap3A_905 = vector.shape_cast %swap3A_904 : vector<1x1x168x96xf32> to vector<168x96xf32>
    %swap3A_906 = vector.shape_cast %add3A_899 : vector<168x96xf32> to vector<1x1x168x96xf32>
    tpu.vector_store %arg5[%swap3A_900, %swap3A_901, %swap3A_902, %swap3A_903], %swap3A_906 {strides = array<i32>} : memref<1x32x168x96xf32, #tpu.memory_space<vmem>>, vector<1x1x168x96xf32>,
    %get3A_907 = arith.constant 0 : index
    %get3A_908 = arith.constant 19 : index
    %get3A_909 = arith.constant 0 : index
    %get3A_910 = arith.constant 0 : index
    %get3A_911 = vector.load %arg2[%get3A_907, %get3A_908, %get3A_909, %get3A_910] : memref<1x32x16x168xf32, #tpu.memory_space<vmem>>, vector<1x1x16x168xf32>
    %get3A_912 = vector.shape_cast %get3A_911 : vector<1x1x16x168xf32> to vector<16x168xf32>
    %get3A_913 = arith.constant 304 : index
    %get3A_914 = memref.load %arg1[%get3A_913] : memref<512xi32, #tpu.memory_space<smem>>
    %get3A_915 = arith.constant 0 : index
    %get3A_916 = arith.index_cast %get3A_914 : i32 to index
    %get3A_917 = arith.constant 0 : index
    %get3A_918 = arith.constant 0 : index
    %get3A_919 = vector.load %arg2[%get3A_915, %get3A_916, %get3A_917, %get3A_918] : memref<1x32x16x168xf32, #tpu.memory_space<vmem>>, vector<1x1x16x168xf32>
    %get3A_920 = vector.shape_cast %get3A_919 : vector<1x1x16x168xf32> to vector<16x168xf32>
    %get3A_921 = arith.constant 305 : index
    %get3A_922 = memref.load %arg1[%get3A_921] : memref<512xi32, #tpu.memory_space<smem>>
    %get3A_923 = arith.constant 0 : index
    %get3A_924 = arith.index_cast %get3A_922 : i32 to index
    %get3A_925 = arith.constant 0 : index
    %get3A_926 = arith.constant 0 : index
    %get3A_927 = vector.load %arg2[%get3A_923, %get3A_924, %get3A_925, %get3A_926] : memref<1x32x16x168xf32, #tpu.memory_space<vmem>>, vector<1x1x16x168xf32>
    %get3A_928 = vector.shape_cast %get3A_927 : vector<1x1x16x168xf32> to vector<16x168xf32>
    %get3A_929 = arith.constant 306 : index
    %get3A_930 = memref.load %arg1[%get3A_929] : memref<512xi32, #tpu.memory_space<smem>>
    %get3A_931 = arith.constant 0 : index
    %get3A_932 = arith.index_cast %get3A_930 : i32 to index
    %get3A_933 = arith.constant 0 : index
    %get3A_934 = arith.constant 0 : index
    %get3A_935 = vector.load %arg2[%get3A_931, %get3A_932, %get3A_933, %get3A_934] : memref<1x32x16x168xf32, #tpu.memory_space<vmem>>, vector<1x1x16x168xf32>
    %get3A_936 = vector.shape_cast %get3A_935 : vector<1x1x16x168xf32> to vector<16x168xf32>
    %concatenate3A_937 = tpu.concatenate %get3A_912, %get3A_920, %get3A_928, %get3A_936 in 0 : vector<16x168xf32>, vector<16x168xf32>, vector<16x168xf32>, vector<16x168xf32> -> vector<64x168xf32>
    %get3A_938 = arith.constant 0 : index
    %get3A_939 = arith.constant 0 : index
    %get3A_940 = vector.load %arg3[%get3A_938, %get3A_939] : memref<96x64xf32, #tpu.memory_space<vmem>>, vector<96x64xf32>
    %dot_general3A_941 = arith.constant dense<0.000000e+00> : vector<168x96xf32>
    %dot_general3A_942 = tpu.matmul %concatenate3A_937, %get3A_940, %dot_general3A_941 {dimension_numbers = #tpu.dot_dimension_numbers<[0], [1], [1], [0], [0, 1, 1, 0], [], []>, transpose_lhs_hint = false} : vector<64x168xf32>, vector<96x64xf32>, vector<168x96xf32> -> vector<168x96xf32>
    %get3A_943 = arith.constant 0 : index
    %get3A_944 = arith.constant 0 : index
    %get3A_945 = vector.load %arg4[%get3A_943, %get3A_944] : memref<1x96xf32, #tpu.memory_space<vmem>>, vector<1x96xf32>
    %add3A_946 = vector.broadcast %get3A_945 : vector<1x96xf32> to vector<168x96xf32>
    %add3A_947 = arith.addf %dot_general3A_942, %add3A_946 : vector<168x96xf32>
    %swap3A_948 = arith.constant 0 : index
    %swap3A_949 = arith.constant 19 : index
    %swap3A_950 = arith.constant 0 : index
    %swap3A_951 = arith.constant 0 : index
    %swap3A_952 = vector.load %arg5[%swap3A_948, %swap3A_949, %swap3A_950, %swap3A_951] : memref<1x32x168x96xf32, #tpu.memory_space<vmem>>, vector<1x1x168x96xf32>
    %swap3A_953 = vector.shape_cast %swap3A_952 : vector<1x1x168x96xf32> to vector<168x96xf32>
    %swap3A_954 = vector.shape_cast %add3A_947 : vector<168x96xf32> to vector<1x1x168x96xf32>
    tpu.vector_store %arg5[%swap3A_948, %swap3A_949, %swap3A_950, %swap3A_951], %swap3A_954 {strides = array<i32>} : memref<1x32x168x96xf32, #tpu.memory_space<vmem>>, vector<1x1x168x96xf32>,
    %get3A_955 = arith.constant 0 : index
    %get3A_956 = arith.constant 20 : index
    %get3A_957 = arith.constant 0 : index
    %get3A_958 = arith.constant 0 : index
    %get3A_959 = vector.load %arg2[%get3A_955, %get3A_956, %get3A_957, %get3A_958] : memref<1x32x16x168xf32, #tpu.memory_space<vmem>>, vector<1x1x16x168xf32>
    %get3A_960 = vector.shape_cast %get3A_959 : vector<1x1x16x168xf32> to vector<16x168xf32>
    %get3A_961 = arith.constant 320 : index
    %get3A_962 = memref.load %arg1[%get3A_961] : memref<512xi32, #tpu.memory_space<smem>>
    %get3A_963 = arith.constant 0 : index
    %get3A_964 = arith.index_cast %get3A_962 : i32 to index
    %get3A_965 = arith.constant 0 : index
    %get3A_966 = arith.constant 0 : index
    %get3A_967 = vector.load %arg2[%get3A_963, %get3A_964, %get3A_965, %get3A_966] : memref<1x32x16x168xf32, #tpu.memory_space<vmem>>, vector<1x1x16x168xf32>
    %get3A_968 = vector.shape_cast %get3A_967 : vector<1x1x16x168xf32> to vector<16x168xf32>
    %get3A_969 = arith.constant 321 : index
    %get3A_970 = memref.load %arg1[%get3A_969] : memref<512xi32, #tpu.memory_space<smem>>
    %get3A_971 = arith.constant 0 : index
    %get3A_972 = arith.index_cast %get3A_970 : i32 to index
    %get3A_973 = arith.constant 0 : index
    %get3A_974 = arith.constant 0 : index
    %get3A_975 = vector.load %arg2[%get3A_971, %get3A_972, %get3A_973, %get3A_974] : memref<1x32x16x168xf32, #tpu.memory_space<vmem>>, vector<1x1x16x168xf32>
    %get3A_976 = vector.shape_cast %get3A_975 : vector<1x1x16x168xf32> to vector<16x168xf32>
    %get3A_977 = arith.constant 322 : index
    %get3A_978 = memref.load %arg1[%get3A_977] : memref<512xi32, #tpu.memory_space<smem>>
    %get3A_979 = arith.constant 0 : index
    %get3A_980 = arith.index_cast %get3A_978 : i32 to index
    %get3A_981 = arith.constant 0 : index
    %get3A_982 = arith.constant 0 : index
    %get3A_983 = vector.load %arg2[%get3A_979, %get3A_980, %get3A_981, %get3A_982] : memref<1x32x16x168xf32, #tpu.memory_space<vmem>>, vector<1x1x16x168xf32>
    %get3A_984 = vector.shape_cast %get3A_983 : vector<1x1x16x168xf32> to vector<16x168xf32>
    %concatenate3A_985 = tpu.concatenate %get3A_960, %get3A_968, %get3A_976, %get3A_984 in 0 : vector<16x168xf32>, vector<16x168xf32>, vector<16x168xf32>, vector<16x168xf32> -> vector<64x168xf32>
    %get3A_986 = arith.constant 0 : index
    %get3A_987 = arith.constant 0 : index
    %get3A_988 = vector.load %arg3[%get3A_986, %get3A_987] : memref<96x64xf32, #tpu.memory_space<vmem>>, vector<96x64xf32>
    %dot_general3A_989 = arith.constant dense<0.000000e+00> : vector<168x96xf32>
    %dot_general3A_990 = tpu.matmul %concatenate3A_985, %get3A_988, %dot_general3A_989 {dimension_numbers = #tpu.dot_dimension_numbers<[0], [1], [1], [0], [0, 1, 1, 0], [], []>, transpose_lhs_hint = false} : vector<64x168xf32>, vector<96x64xf32>, vector<168x96xf32> -> vector<168x96xf32>
    %get3A_991 = arith.constant 0 : index
    %get3A_992 = arith.constant 0 : index
    %get3A_993 = vector.load %arg4[%get3A_991, %get3A_992] : memref<1x96xf32, #tpu.memory_space<vmem>>, vector<1x96xf32>
    %add3A_994 = vector.broadcast %get3A_993 : vector<1x96xf32> to vector<168x96xf32>
    %add3A_995 = arith.addf %dot_general3A_990, %add3A_994 : vector<168x96xf32>
    %swap3A_996 = arith.constant 0 : index
    %swap3A_997 = arith.constant 20 : index
    %swap3A_998 = arith.constant 0 : index
    %swap3A_999 = arith.constant 0 : index
    %swap3A_1000 = vector.load %arg5[%swap3A_996, %swap3A_997, %swap3A_998, %swap3A_999] : memref<1x32x168x96xf32, #tpu.memory_space<vmem>>, vector<1x1x168x96xf32>
    %swap3A_1001 = vector.shape_cast %swap3A_1000 : vector<1x1x168x96xf32> to vector<168x96xf32>
    %swap3A_1002 = vector.shape_cast %add3A_995 : vector<168x96xf32> to vector<1x1x168x96xf32>
    tpu.vector_store %arg5[%swap3A_996, %swap3A_997, %swap3A_998, %swap3A_999], %swap3A_1002 {strides = array<i32>} : memref<1x32x168x96xf32, #tpu.memory_space<vmem>>, vector<1x1x168x96xf32>,
    %get3A_1003 = arith.constant 0 : index
    %get3A_1004 = arith.constant 21 : index
    %get3A_1005 = arith.constant 0 : index
    %get3A_1006 = arith.constant 0 : index
    %get3A_1007 = vector.load %arg2[%get3A_1003, %get3A_1004, %get3A_1005, %get3A_1006] : memref<1x32x16x168xf32, #tpu.memory_space<vmem>>, vector<1x1x16x168xf32>
    %get3A_1008 = vector.shape_cast %get3A_1007 : vector<1x1x16x168xf32> to vector<16x168xf32>
    %get3A_1009 = arith.constant 336 : index
    %get3A_1010 = memref.load %arg1[%get3A_1009] : memref<512xi32, #tpu.memory_space<smem>>
    %get3A_1011 = arith.constant 0 : index
    %get3A_1012 = arith.index_cast %get3A_1010 : i32 to index
    %get3A_1013 = arith.constant 0 : index
    %get3A_1014 = arith.constant 0 : index
    %get3A_1015 = vector.load %arg2[%get3A_1011, %get3A_1012, %get3A_1013, %get3A_1014] : memref<1x32x16x168xf32, #tpu.memory_space<vmem>>, vector<1x1x16x168xf32>
    %get3A_1016 = vector.shape_cast %get3A_1015 : vector<1x1x16x168xf32> to vector<16x168xf32>
    %get3A_1017 = arith.constant 337 : index
    %get3A_1018 = memref.load %arg1[%get3A_1017] : memref<512xi32, #tpu.memory_space<smem>>
    %get3A_1019 = arith.constant 0 : index
    %get3A_1020 = arith.index_cast %get3A_1018 : i32 to index
    %get3A_1021 = arith.constant 0 : index
    %get3A_1022 = arith.constant 0 : index
    %get3A_1023 = vector.load %arg2[%get3A_1019, %get3A_1020, %get3A_1021, %get3A_1022] : memref<1x32x16x168xf32, #tpu.memory_space<vmem>>, vector<1x1x16x168xf32>
    %get3A_1024 = vector.shape_cast %get3A_1023 : vector<1x1x16x168xf32> to vector<16x168xf32>
    %get3A_1025 = arith.constant 338 : index
    %get3A_1026 = memref.load %arg1[%get3A_1025] : memref<512xi32, #tpu.memory_space<smem>>
    %get3A_1027 = arith.constant 0 : index
    %get3A_1028 = arith.index_cast %get3A_1026 : i32 to index
    %get3A_1029 = arith.constant 0 : index
    %get3A_1030 = arith.constant 0 : index
    %get3A_1031 = vector.load %arg2[%get3A_1027, %get3A_1028, %get3A_1029, %get3A_1030] : memref<1x32x16x168xf32, #tpu.memory_space<vmem>>, vector<1x1x16x168xf32>
    %get3A_1032 = vector.shape_cast %get3A_1031 : vector<1x1x16x168xf32> to vector<16x168xf32>
    %concatenate3A_1033 = tpu.concatenate %get3A_1008, %get3A_1016, %get3A_1024, %get3A_1032 in 0 : vector<16x168xf32>, vector<16x168xf32>, vector<16x168xf32>, vector<16x168xf32> -> vector<64x168xf32>
    %get3A_1034 = arith.constant 0 : index
    %get3A_1035 = arith.constant 0 : index
    %get3A_1036 = vector.load %arg3[%get3A_1034, %get3A_1035] : memref<96x64xf32, #tpu.memory_space<vmem>>, vector<96x64xf32>
    %dot_general3A_1037 = arith.constant dense<0.000000e+00> : vector<168x96xf32>
    %dot_general3A_1038 = tpu.matmul %concatenate3A_1033, %get3A_1036, %dot_general3A_1037 {dimension_numbers = #tpu.dot_dimension_numbers<[0], [1], [1], [0], [0, 1, 1, 0], [], []>, transpose_lhs_hint = false} : vector<64x168xf32>, vector<96x64xf32>, vector<168x96xf32> -> vector<168x96xf32>
    %get3A_1039 = arith.constant 0 : index
    %get3A_1040 = arith.constant 0 : index
    %get3A_1041 = vector.load %arg4[%get3A_1039, %get3A_1040] : memref<1x96xf32, #tpu.memory_space<vmem>>, vector<1x96xf32>
    %add3A_1042 = vector.broadcast %get3A_1041 : vector<1x96xf32> to vector<168x96xf32>
    %add3A_1043 = arith.addf %dot_general3A_1038, %add3A_1042 : vector<168x96xf32>
    %swap3A_1044 = arith.constant 0 : index
    %swap3A_1045 = arith.constant 21 : index
    %swap3A_1046 = arith.constant 0 : index
    %swap3A_1047 = arith.constant 0 : index
    %swap3A_1048 = vector.load %arg5[%swap3A_1044, %swap3A_1045, %swap3A_1046, %swap3A_1047] : memref<1x32x168x96xf32, #tpu.memory_space<vmem>>, vector<1x1x168x96xf32>
    %swap3A_1049 = vector.shape_cast %swap3A_1048 : vector<1x1x168x96xf32> to vector<168x96xf32>
    %swap3A_1050 = vector.shape_cast %add3A_1043 : vector<168x96xf32> to vector<1x1x168x96xf32>
    tpu.vector_store %arg5[%swap3A_1044, %swap3A_1045, %swap3A_1046, %swap3A_1047], %swap3A_1050 {strides = array<i32>} : memref<1x32x168x96xf32, #tpu.memory_space<vmem>>, vector<1x1x168x96xf32>,
    %get3A_1051 = arith.constant 0 : index
    %get3A_1052 = arith.constant 22 : index
    %get3A_1053 = arith.constant 0 : index
    %get3A_1054 = arith.constant 0 : index
    %get3A_1055 = vector.load %arg2[%get3A_1051, %get3A_1052, %get3A_1053, %get3A_1054] : memref<1x32x16x168xf32, #tpu.memory_space<vmem>>, vector<1x1x16x168xf32>
    %get3A_1056 = vector.shape_cast %get3A_1055 : vector<1x1x16x168xf32> to vector<16x168xf32>
    %get3A_1057 = arith.constant 352 : index
    %get3A_1058 = memref.load %arg1[%get3A_1057] : memref<512xi32, #tpu.memory_space<smem>>
    %get3A_1059 = arith.constant 0 : index
    %get3A_1060 = arith.index_cast %get3A_1058 : i32 to index
    %get3A_1061 = arith.constant 0 : index
    %get3A_1062 = arith.constant 0 : index
    %get3A_1063 = vector.load %arg2[%get3A_1059, %get3A_1060, %get3A_1061, %get3A_1062] : memref<1x32x16x168xf32, #tpu.memory_space<vmem>>, vector<1x1x16x168xf32>
    %get3A_1064 = vector.shape_cast %get3A_1063 : vector<1x1x16x168xf32> to vector<16x168xf32>
    %get3A_1065 = arith.constant 353 : index
    %get3A_1066 = memref.load %arg1[%get3A_1065] : memref<512xi32, #tpu.memory_space<smem>>
    %get3A_1067 = arith.constant 0 : index
    %get3A_1068 = arith.index_cast %get3A_1066 : i32 to index
    %get3A_1069 = arith.constant 0 : index
    %get3A_1070 = arith.constant 0 : index
    %get3A_1071 = vector.load %arg2[%get3A_1067, %get3A_1068, %get3A_1069, %get3A_1070] : memref<1x32x16x168xf32, #tpu.memory_space<vmem>>, vector<1x1x16x168xf32>
    %get3A_1072 = vector.shape_cast %get3A_1071 : vector<1x1x16x168xf32> to vector<16x168xf32>
    %get3A_1073 = arith.constant 354 : index
    %get3A_1074 = memref.load %arg1[%get3A_1073] : memref<512xi32, #tpu.memory_space<smem>>
    %get3A_1075 = arith.constant 0 : index
    %get3A_1076 = arith.index_cast %get3A_1074 : i32 to index
    %get3A_1077 = arith.constant 0 : index
    %get3A_1078 = arith.constant 0 : index
    %get3A_1079 = vector.load %arg2[%get3A_1075, %get3A_1076, %get3A_1077, %get3A_1078] : memref<1x32x16x168xf32, #tpu.memory_space<vmem>>, vector<1x1x16x168xf32>
    %get3A_1080 = vector.shape_cast %get3A_1079 : vector<1x1x16x168xf32> to vector<16x168xf32>
    %concatenate3A_1081 = tpu.concatenate %get3A_1056, %get3A_1064, %get3A_1072, %get3A_1080 in 0 : vector<16x168xf32>, vector<16x168xf32>, vector<16x168xf32>, vector<16x168xf32> -> vector<64x168xf32>
    %get3A_1082 = arith.constant 0 : index
    %get3A_1083 = arith.constant 0 : index
    %get3A_1084 = vector.load %arg3[%get3A_1082, %get3A_1083] : memref<96x64xf32, #tpu.memory_space<vmem>>, vector<96x64xf32>
    %dot_general3A_1085 = arith.constant dense<0.000000e+00> : vector<168x96xf32>
    %dot_general3A_1086 = tpu.matmul %concatenate3A_1081, %get3A_1084, %dot_general3A_1085 {dimension_numbers = #tpu.dot_dimension_numbers<[0], [1], [1], [0], [0, 1, 1, 0], [], []>, transpose_lhs_hint = false} : vector<64x168xf32>, vector<96x64xf32>, vector<168x96xf32> -> vector<168x96xf32>
    %get3A_1087 = arith.constant 0 : index
    %get3A_1088 = arith.constant 0 : index
    %get3A_1089 = vector.load %arg4[%get3A_1087, %get3A_1088] : memref<1x96xf32, #tpu.memory_space<vmem>>, vector<1x96xf32>
    %add3A_1090 = vector.broadcast %get3A_1089 : vector<1x96xf32> to vector<168x96xf32>
    %add3A_1091 = arith.addf %dot_general3A_1086, %add3A_1090 : vector<168x96xf32>
    %swap3A_1092 = arith.constant 0 : index
    %swap3A_1093 = arith.constant 22 : index
    %swap3A_1094 = arith.constant 0 : index
    %swap3A_1095 = arith.constant 0 : index
    %swap3A_1096 = vector.load %arg5[%swap3A_1092, %swap3A_1093, %swap3A_1094, %swap3A_1095] : memref<1x32x168x96xf32, #tpu.memory_space<vmem>>, vector<1x1x168x96xf32>
    %swap3A_1097 = vector.shape_cast %swap3A_1096 : vector<1x1x168x96xf32> to vector<168x96xf32>
    %swap3A_1098 = vector.shape_cast %add3A_1091 : vector<168x96xf32> to vector<1x1x168x96xf32>
    tpu.vector_store %arg5[%swap3A_1092, %swap3A_1093, %swap3A_1094, %swap3A_1095], %swap3A_1098 {strides = array<i32>} : memref<1x32x168x96xf32, #tpu.memory_space<vmem>>, vector<1x1x168x96xf32>,
    %get3A_1099 = arith.constant 0 : index
    %get3A_1100 = arith.constant 23 : index
    %get3A_1101 = arith.constant 0 : index
    %get3A_1102 = arith.constant 0 : index
    %get3A_1103 = vector.load %arg2[%get3A_1099, %get3A_1100, %get3A_1101, %get3A_1102] : memref<1x32x16x168xf32, #tpu.memory_space<vmem>>, vector<1x1x16x168xf32>
    %get3A_1104 = vector.shape_cast %get3A_1103 : vector<1x1x16x168xf32> to vector<16x168xf32>
    %get3A_1105 = arith.constant 368 : index
    %get3A_1106 = memref.load %arg1[%get3A_1105] : memref<512xi32, #tpu.memory_space<smem>>
    %get3A_1107 = arith.constant 0 : index
    %get3A_1108 = arith.index_cast %get3A_1106 : i32 to index
    %get3A_1109 = arith.constant 0 : index
    %get3A_1110 = arith.constant 0 : index
    %get3A_1111 = vector.load %arg2[%get3A_1107, %get3A_1108, %get3A_1109, %get3A_1110] : memref<1x32x16x168xf32, #tpu.memory_space<vmem>>, vector<1x1x16x168xf32>
    %get3A_1112 = vector.shape_cast %get3A_1111 : vector<1x1x16x168xf32> to vector<16x168xf32>
    %get3A_1113 = arith.constant 369 : index
    %get3A_1114 = memref.load %arg1[%get3A_1113] : memref<512xi32, #tpu.memory_space<smem>>
    %get3A_1115 = arith.constant 0 : index
    %get3A_1116 = arith.index_cast %get3A_1114 : i32 to index
    %get3A_1117 = arith.constant 0 : index
    %get3A_1118 = arith.constant 0 : index
    %get3A_1119 = vector.load %arg2[%get3A_1115, %get3A_1116, %get3A_1117, %get3A_1118] : memref<1x32x16x168xf32, #tpu.memory_space<vmem>>, vector<1x1x16x168xf32>
    %get3A_1120 = vector.shape_cast %get3A_1119 : vector<1x1x16x168xf32> to vector<16x168xf32>
    %get3A_1121 = arith.constant 370 : index
    %get3A_1122 = memref.load %arg1[%get3A_1121] : memref<512xi32, #tpu.memory_space<smem>>
    %get3A_1123 = arith.constant 0 : index
    %get3A_1124 = arith.index_cast %get3A_1122 : i32 to index
    %get3A_1125 = arith.constant 0 : index
    %get3A_1126 = arith.constant 0 : index
    %get3A_1127 = vector.load %arg2[%get3A_1123, %get3A_1124, %get3A_1125, %get3A_1126] : memref<1x32x16x168xf32, #tpu.memory_space<vmem>>, vector<1x1x16x168xf32>
    %get3A_1128 = vector.shape_cast %get3A_1127 : vector<1x1x16x168xf32> to vector<16x168xf32>
    %concatenate3A_1129 = tpu.concatenate %get3A_1104, %get3A_1112, %get3A_1120, %get3A_1128 in 0 : vector<16x168xf32>, vector<16x168xf32>, vector<16x168xf32>, vector<16x168xf32> -> vector<64x168xf32>
    %get3A_1130 = arith.constant 0 : index
    %get3A_1131 = arith.constant 0 : index
    %get3A_1132 = vector.load %arg3[%get3A_1130, %get3A_1131] : memref<96x64xf32, #tpu.memory_space<vmem>>, vector<96x64xf32>
    %dot_general3A_1133 = arith.constant dense<0.000000e+00> : vector<168x96xf32>
    %dot_general3A_1134 = tpu.matmul %concatenate3A_1129, %get3A_1132, %dot_general3A_1133 {dimension_numbers = #tpu.dot_dimension_numbers<[0], [1], [1], [0], [0, 1, 1, 0], [], []>, transpose_lhs_hint = false} : vector<64x168xf32>, vector<96x64xf32>, vector<168x96xf32> -> vector<168x96xf32>
    %get3A_1135 = arith.constant 0 : index
    %get3A_1136 = arith.constant 0 : index
    %get3A_1137 = vector.load %arg4[%get3A_1135, %get3A_1136] : memref<1x96xf32, #tpu.memory_space<vmem>>, vector<1x96xf32>
    %add3A_1138 = vector.broadcast %get3A_1137 : vector<1x96xf32> to vector<168x96xf32>
    %add3A_1139 = arith.addf %dot_general3A_1134, %add3A_1138 : vector<168x96xf32>
    %swap3A_1140 = arith.constant 0 : index
    %swap3A_1141 = arith.constant 23 : index
    %swap3A_1142 = arith.constant 0 : index
    %swap3A_1143 = arith.constant 0 : index
    %swap3A_1144 = vector.load %arg5[%swap3A_1140, %swap3A_1141, %swap3A_1142, %swap3A_1143] : memref<1x32x168x96xf32, #tpu.memory_space<vmem>>, vector<1x1x168x96xf32>
    %swap3A_1145 = vector.shape_cast %swap3A_1144 : vector<1x1x168x96xf32> to vector<168x96xf32>
    %swap3A_1146 = vector.shape_cast %add3A_1139 : vector<168x96xf32> to vector<1x1x168x96xf32>
    tpu.vector_store %arg5[%swap3A_1140, %swap3A_1141, %swap3A_1142, %swap3A_1143], %swap3A_1146 {strides = array<i32>} : memref<1x32x168x96xf32, #tpu.memory_space<vmem>>, vector<1x1x168x96xf32>,
    %get3A_1147 = arith.constant 0 : index
    %get3A_1148 = arith.constant 24 : index
    %get3A_1149 = arith.constant 0 : index
    %get3A_1150 = arith.constant 0 : index
    %get3A_1151 = vector.load %arg2[%get3A_1147, %get3A_1148, %get3A_1149, %get3A_1150] : memref<1x32x16x168xf32, #tpu.memory_space<vmem>>, vector<1x1x16x168xf32>
    %get3A_1152 = vector.shape_cast %get3A_1151 : vector<1x1x16x168xf32> to vector<16x168xf32>
    %get3A_1153 = arith.constant 384 : index
    %get3A_1154 = memref.load %arg1[%get3A_1153] : memref<512xi32, #tpu.memory_space<smem>>
    %get3A_1155 = arith.constant 0 : index
    %get3A_1156 = arith.index_cast %get3A_1154 : i32 to index
    %get3A_1157 = arith.constant 0 : index
    %get3A_1158 = arith.constant 0 : index
    %get3A_1159 = vector.load %arg2[%get3A_1155, %get3A_1156, %get3A_1157, %get3A_1158] : memref<1x32x16x168xf32, #tpu.memory_space<vmem>>, vector<1x1x16x168xf32>
    %get3A_1160 = vector.shape_cast %get3A_1159 : vector<1x1x16x168xf32> to vector<16x168xf32>
    %get3A_1161 = arith.constant 385 : index
    %get3A_1162 = memref.load %arg1[%get3A_1161] : memref<512xi32, #tpu.memory_space<smem>>
    %get3A_1163 = arith.constant 0 : index
    %get3A_1164 = arith.index_cast %get3A_1162 : i32 to index
    %get3A_1165 = arith.constant 0 : index
    %get3A_1166 = arith.constant 0 : index
    %get3A_1167 = vector.load %arg2[%get3A_1163, %get3A_1164, %get3A_1165, %get3A_1166] : memref<1x32x16x168xf32, #tpu.memory_space<vmem>>, vector<1x1x16x168xf32>
    %get3A_1168 = vector.shape_cast %get3A_1167 : vector<1x1x16x168xf32> to vector<16x168xf32>
    %get3A_1169 = arith.constant 386 : index
    %get3A_1170 = memref.load %arg1[%get3A_1169] : memref<512xi32, #tpu.memory_space<smem>>
    %get3A_1171 = arith.constant 0 : index
    %get3A_1172 = arith.index_cast %get3A_1170 : i32 to index
    %get3A_1173 = arith.constant 0 : index
    %get3A_1174 = arith.constant 0 : index
    %get3A_1175 = vector.load %arg2[%get3A_1171, %get3A_1172, %get3A_1173, %get3A_1174] : memref<1x32x16x168xf32, #tpu.memory_space<vmem>>, vector<1x1x16x168xf32>
    %get3A_1176 = vector.shape_cast %get3A_1175 : vector<1x1x16x168xf32> to vector<16x168xf32>
    %concatenate3A_1177 = tpu.concatenate %get3A_1152, %get3A_1160, %get3A_1168, %get3A_1176 in 0 : vector<16x168xf32>, vector<16x168xf32>, vector<16x168xf32>, vector<16x168xf32> -> vector<64x168xf32>
    %get3A_1178 = arith.constant 0 : index
    %get3A_1179 = arith.constant 0 : index
    %get3A_1180 = vector.load %arg3[%get3A_1178, %get3A_1179] : memref<96x64xf32, #tpu.memory_space<vmem>>, vector<96x64xf32>
    %dot_general3A_1181 = arith.constant dense<0.000000e+00> : vector<168x96xf32>
    %dot_general3A_1182 = tpu.matmul %concatenate3A_1177, %get3A_1180, %dot_general3A_1181 {dimension_numbers = #tpu.dot_dimension_numbers<[0], [1], [1], [0], [0, 1, 1, 0], [], []>, transpose_lhs_hint = false} : vector<64x168xf32>, vector<96x64xf32>, vector<168x96xf32> -> vector<168x96xf32>
    %get3A_1183 = arith.constant 0 : index
    %get3A_1184 = arith.constant 0 : index
    %get3A_1185 = vector.load %arg4[%get3A_1183, %get3A_1184] : memref<1x96xf32, #tpu.memory_space<vmem>>, vector<1x96xf32>
    %add3A_1186 = vector.broadcast %get3A_1185 : vector<1x96xf32> to vector<168x96xf32>
    %add3A_1187 = arith.addf %dot_general3A_1182, %add3A_1186 : vector<168x96xf32>
    %swap3A_1188 = arith.constant 0 : index
    %swap3A_1189 = arith.constant 24 : index
    %swap3A_1190 = arith.constant 0 : index
    %swap3A_1191 = arith.constant 0 : index
    %swap3A_1192 = vector.load %arg5[%swap3A_1188, %swap3A_1189, %swap3A_1190, %swap3A_1191] : memref<1x32x168x96xf32, #tpu.memory_space<vmem>>, vector<1x1x168x96xf32>
    %swap3A_1193 = vector.shape_cast %swap3A_1192 : vector<1x1x168x96xf32> to vector<168x96xf32>
    %swap3A_1194 = vector.shape_cast %add3A_1187 : vector<168x96xf32> to vector<1x1x168x96xf32>
    tpu.vector_store %arg5[%swap3A_1188, %swap3A_1189, %swap3A_1190, %swap3A_1191], %swap3A_1194 {strides = array<i32>} : memref<1x32x168x96xf32, #tpu.memory_space<vmem>>, vector<1x1x168x96xf32>,
    %get3A_1195 = arith.constant 0 : index
    %get3A_1196 = arith.constant 25 : index
    %get3A_1197 = arith.constant 0 : index
    %get3A_1198 = arith.constant 0 : index
    %get3A_1199 = vector.load %arg2[%get3A_1195, %get3A_1196, %get3A_1197, %get3A_1198] : memref<1x32x16x168xf32, #tpu.memory_space<vmem>>, vector<1x1x16x168xf32>
    %get3A_1200 = vector.shape_cast %get3A_1199 : vector<1x1x16x168xf32> to vector<16x168xf32>
    %get3A_1201 = arith.constant 400 : index
    %get3A_1202 = memref.load %arg1[%get3A_1201] : memref<512xi32, #tpu.memory_space<smem>>
    %get3A_1203 = arith.constant 0 : index
    %get3A_1204 = arith.index_cast %get3A_1202 : i32 to index
    %get3A_1205 = arith.constant 0 : index
    %get3A_1206 = arith.constant 0 : index
    %get3A_1207 = vector.load %arg2[%get3A_1203, %get3A_1204, %get3A_1205, %get3A_1206] : memref<1x32x16x168xf32, #tpu.memory_space<vmem>>, vector<1x1x16x168xf32>
    %get3A_1208 = vector.shape_cast %get3A_1207 : vector<1x1x16x168xf32> to vector<16x168xf32>
    %get3A_1209 = arith.constant 401 : index
    %get3A_1210 = memref.load %arg1[%get3A_1209] : memref<512xi32, #tpu.memory_space<smem>>
    %get3A_1211 = arith.constant 0 : index
    %get3A_1212 = arith.index_cast %get3A_1210 : i32 to index
    %get3A_1213 = arith.constant 0 : index
    %get3A_1214 = arith.constant 0 : index
    %get3A_1215 = vector.load %arg2[%get3A_1211, %get3A_1212, %get3A_1213, %get3A_1214] : memref<1x32x16x168xf32, #tpu.memory_space<vmem>>, vector<1x1x16x168xf32>
    %get3A_1216 = vector.shape_cast %get3A_1215 : vector<1x1x16x168xf32> to vector<16x168xf32>
    %get3A_1217 = arith.constant 402 : index
    %get3A_1218 = memref.load %arg1[%get3A_1217] : memref<512xi32, #tpu.memory_space<smem>>
    %get3A_1219 = arith.constant 0 : index
    %get3A_1220 = arith.index_cast %get3A_1218 : i32 to index
    %get3A_1221 = arith.constant 0 : index
    %get3A_1222 = arith.constant 0 : index
    %get3A_1223 = vector.load %arg2[%get3A_1219, %get3A_1220, %get3A_1221, %get3A_1222] : memref<1x32x16x168xf32, #tpu.memory_space<vmem>>, vector<1x1x16x168xf32>
    %get3A_1224 = vector.shape_cast %get3A_1223 : vector<1x1x16x168xf32> to vector<16x168xf32>
    %concatenate3A_1225 = tpu.concatenate %get3A_1200, %get3A_1208, %get3A_1216, %get3A_1224 in 0 : vector<16x168xf32>, vector<16x168xf32>, vector<16x168xf32>, vector<16x168xf32> -> vector<64x168xf32>
    %get3A_1226 = arith.constant 0 : index
    %get3A_1227 = arith.constant 0 : index
    %get3A_1228 = vector.load %arg3[%get3A_1226, %get3A_1227] : memref<96x64xf32, #tpu.memory_space<vmem>>, vector<96x64xf32>
    %dot_general3A_1229 = arith.constant dense<0.000000e+00> : vector<168x96xf32>
    %dot_general3A_1230 = tpu.matmul %concatenate3A_1225, %get3A_1228, %dot_general3A_1229 {dimension_numbers = #tpu.dot_dimension_numbers<[0], [1], [1], [0], [0, 1, 1, 0], [], []>, transpose_lhs_hint = false} : vector<64x168xf32>, vector<96x64xf32>, vector<168x96xf32> -> vector<168x96xf32>
    %get3A_1231 = arith.constant 0 : index
    %get3A_1232 = arith.constant 0 : index
    %get3A_1233 = vector.load %arg4[%get3A_1231, %get3A_1232] : memref<1x96xf32, #tpu.memory_space<vmem>>, vector<1x96xf32>
    %add3A_1234 = vector.broadcast %get3A_1233 : vector<1x96xf32> to vector<168x96xf32>
    %add3A_1235 = arith.addf %dot_general3A_1230, %add3A_1234 : vector<168x96xf32>
    %swap3A_1236 = arith.constant 0 : index
    %swap3A_1237 = arith.constant 25 : index
    %swap3A_1238 = arith.constant 0 : index
    %swap3A_1239 = arith.constant 0 : index
    %swap3A_1240 = vector.load %arg5[%swap3A_1236, %swap3A_1237, %swap3A_1238, %swap3A_1239] : memref<1x32x168x96xf32, #tpu.memory_space<vmem>>, vector<1x1x168x96xf32>
    %swap3A_1241 = vector.shape_cast %swap3A_1240 : vector<1x1x168x96xf32> to vector<168x96xf32>
    %swap3A_1242 = vector.shape_cast %add3A_1235 : vector<168x96xf32> to vector<1x1x168x96xf32>
    tpu.vector_store %arg5[%swap3A_1236, %swap3A_1237, %swap3A_1238, %swap3A_1239], %swap3A_1242 {strides = array<i32>} : memref<1x32x168x96xf32, #tpu.memory_space<vmem>>, vector<1x1x168x96xf32>,
    %get3A_1243 = arith.constant 0 : index
    %get3A_1244 = arith.constant 26 : index
    %get3A_1245 = arith.constant 0 : index
    %get3A_1246 = arith.constant 0 : index
    %get3A_1247 = vector.load %arg2[%get3A_1243, %get3A_1244, %get3A_1245, %get3A_1246] : memref<1x32x16x168xf32, #tpu.memory_space<vmem>>, vector<1x1x16x168xf32>
    %get3A_1248 = vector.shape_cast %get3A_1247 : vector<1x1x16x168xf32> to vector<16x168xf32>
    %get3A_1249 = arith.constant 416 : index
    %get3A_1250 = memref.load %arg1[%get3A_1249] : memref<512xi32, #tpu.memory_space<smem>>
    %get3A_1251 = arith.constant 0 : index
    %get3A_1252 = arith.index_cast %get3A_1250 : i32 to index
    %get3A_1253 = arith.constant 0 : index
    %get3A_1254 = arith.constant 0 : index
    %get3A_1255 = vector.load %arg2[%get3A_1251, %get3A_1252, %get3A_1253, %get3A_1254] : memref<1x32x16x168xf32, #tpu.memory_space<vmem>>, vector<1x1x16x168xf32>
    %get3A_1256 = vector.shape_cast %get3A_1255 : vector<1x1x16x168xf32> to vector<16x168xf32>
    %get3A_1257 = arith.constant 417 : index
    %get3A_1258 = memref.load %arg1[%get3A_1257] : memref<512xi32, #tpu.memory_space<smem>>
    %get3A_1259 = arith.constant 0 : index
    %get3A_1260 = arith.index_cast %get3A_1258 : i32 to index
    %get3A_1261 = arith.constant 0 : index
    %get3A_1262 = arith.constant 0 : index
    %get3A_1263 = vector.load %arg2[%get3A_1259, %get3A_1260, %get3A_1261, %get3A_1262] : memref<1x32x16x168xf32, #tpu.memory_space<vmem>>, vector<1x1x16x168xf32>
    %get3A_1264 = vector.shape_cast %get3A_1263 : vector<1x1x16x168xf32> to vector<16x168xf32>
    %get3A_1265 = arith.constant 418 : index
    %get3A_1266 = memref.load %arg1[%get3A_1265] : memref<512xi32, #tpu.memory_space<smem>>
    %get3A_1267 = arith.constant 0 : index
    %get3A_1268 = arith.index_cast %get3A_1266 : i32 to index
    %get3A_1269 = arith.constant 0 : index
    %get3A_1270 = arith.constant 0 : index
    %get3A_1271 = vector.load %arg2[%get3A_1267, %get3A_1268, %get3A_1269, %get3A_1270] : memref<1x32x16x168xf32, #tpu.memory_space<vmem>>, vector<1x1x16x168xf32>
    %get3A_1272 = vector.shape_cast %get3A_1271 : vector<1x1x16x168xf32> to vector<16x168xf32>
    %concatenate3A_1273 = tpu.concatenate %get3A_1248, %get3A_1256, %get3A_1264, %get3A_1272 in 0 : vector<16x168xf32>, vector<16x168xf32>, vector<16x168xf32>, vector<16x168xf32> -> vector<64x168xf32>
    %get3A_1274 = arith.constant 0 : index
    %get3A_1275 = arith.constant 0 : index
    %get3A_1276 = vector.load %arg3[%get3A_1274, %get3A_1275] : memref<96x64xf32, #tpu.memory_space<vmem>>, vector<96x64xf32>
    %dot_general3A_1277 = arith.constant dense<0.000000e+00> : vector<168x96xf32>
    %dot_general3A_1278 = tpu.matmul %concatenate3A_1273, %get3A_1276, %dot_general3A_1277 {dimension_numbers = #tpu.dot_dimension_numbers<[0], [1], [1], [0], [0, 1, 1, 0], [], []>, transpose_lhs_hint = false} : vector<64x168xf32>, vector<96x64xf32>, vector<168x96xf32> -> vector<168x96xf32>
    %get3A_1279 = arith.constant 0 : index
    %get3A_1280 = arith.constant 0 : index
    %get3A_1281 = vector.load %arg4[%get3A_1279, %get3A_1280] : memref<1x96xf32, #tpu.memory_space<vmem>>, vector<1x96xf32>
    %add3A_1282 = vector.broadcast %get3A_1281 : vector<1x96xf32> to vector<168x96xf32>
    %add3A_1283 = arith.addf %dot_general3A_1278, %add3A_1282 : vector<168x96xf32>
    %swap3A_1284 = arith.constant 0 : index
    %swap3A_1285 = arith.constant 26 : index
    %swap3A_1286 = arith.constant 0 : index
    %swap3A_1287 = arith.constant 0 : index
    %swap3A_1288 = vector.load %arg5[%swap3A_1284, %swap3A_1285, %swap3A_1286, %swap3A_1287] : memref<1x32x168x96xf32, #tpu.memory_space<vmem>>, vector<1x1x168x96xf32>
    %swap3A_1289 = vector.shape_cast %swap3A_1288 : vector<1x1x168x96xf32> to vector<168x96xf32>
    %swap3A_1290 = vector.shape_cast %add3A_1283 : vector<168x96xf32> to vector<1x1x168x96xf32>
    tpu.vector_store %arg5[%swap3A_1284, %swap3A_1285, %swap3A_1286, %swap3A_1287], %swap3A_1290 {strides = array<i32>} : memref<1x32x168x96xf32, #tpu.memory_space<vmem>>, vector<1x1x168x96xf32>,
    %get3A_1291 = arith.constant 0 : index
    %get3A_1292 = arith.constant 27 : index
    %get3A_1293 = arith.constant 0 : index
    %get3A_1294 = arith.constant 0 : index
    %get3A_1295 = vector.load %arg2[%get3A_1291, %get3A_1292, %get3A_1293, %get3A_1294] : memref<1x32x16x168xf32, #tpu.memory_space<vmem>>, vector<1x1x16x168xf32>
    %get3A_1296 = vector.shape_cast %get3A_1295 : vector<1x1x16x168xf32> to vector<16x168xf32>
    %get3A_1297 = arith.constant 432 : index
    %get3A_1298 = memref.load %arg1[%get3A_1297] : memref<512xi32, #tpu.memory_space<smem>>
    %get3A_1299 = arith.constant 0 : index
    %get3A_1300 = arith.index_cast %get3A_1298 : i32 to index
    %get3A_1301 = arith.constant 0 : index
    %get3A_1302 = arith.constant 0 : index
    %get3A_1303 = vector.load %arg2[%get3A_1299, %get3A_1300, %get3A_1301, %get3A_1302] : memref<1x32x16x168xf32, #tpu.memory_space<vmem>>, vector<1x1x16x168xf32>
    %get3A_1304 = vector.shape_cast %get3A_1303 : vector<1x1x16x168xf32> to vector<16x168xf32>
    %get3A_1305 = arith.constant 433 : index
    %get3A_1306 = memref.load %arg1[%get3A_1305] : memref<512xi32, #tpu.memory_space<smem>>
    %get3A_1307 = arith.constant 0 : index
    %get3A_1308 = arith.index_cast %get3A_1306 : i32 to index
    %get3A_1309 = arith.constant 0 : index
    %get3A_1310 = arith.constant 0 : index
    %get3A_1311 = vector.load %arg2[%get3A_1307, %get3A_1308, %get3A_1309, %get3A_1310] : memref<1x32x16x168xf32, #tpu.memory_space<vmem>>, vector<1x1x16x168xf32>
    %get3A_1312 = vector.shape_cast %get3A_1311 : vector<1x1x16x168xf32> to vector<16x168xf32>
    %get3A_1313 = arith.constant 434 : index
    %get3A_1314 = memref.load %arg1[%get3A_1313] : memref<512xi32, #tpu.memory_space<smem>>
    %get3A_1315 = arith.constant 0 : index
    %get3A_1316 = arith.index_cast %get3A_1314 : i32 to index
    %get3A_1317 = arith.constant 0 : index
    %get3A_1318 = arith.constant 0 : index
    %get3A_1319 = vector.load %arg2[%get3A_1315, %get3A_1316, %get3A_1317, %get3A_1318] : memref<1x32x16x168xf32, #tpu.memory_space<vmem>>, vector<1x1x16x168xf32>
    %get3A_1320 = vector.shape_cast %get3A_1319 : vector<1x1x16x168xf32> to vector<16x168xf32>
    %concatenate3A_1321 = tpu.concatenate %get3A_1296, %get3A_1304, %get3A_1312, %get3A_1320 in 0 : vector<16x168xf32>, vector<16x168xf32>, vector<16x168xf32>, vector<16x168xf32> -> vector<64x168xf32>
    %get3A_1322 = arith.constant 0 : index
    %get3A_1323 = arith.constant 0 : index
    %get3A_1324 = vector.load %arg3[%get3A_1322, %get3A_1323] : memref<96x64xf32, #tpu.memory_space<vmem>>, vector<96x64xf32>
    %dot_general3A_1325 = arith.constant dense<0.000000e+00> : vector<168x96xf32>
    %dot_general3A_1326 = tpu.matmul %concatenate3A_1321, %get3A_1324, %dot_general3A_1325 {dimension_numbers = #tpu.dot_dimension_numbers<[0], [1], [1], [0], [0, 1, 1, 0], [], []>, transpose_lhs_hint = false} : vector<64x168xf32>, vector<96x64xf32>, vector<168x96xf32> -> vector<168x96xf32>
    %get3A_1327 = arith.constant 0 : index
    %get3A_1328 = arith.constant 0 : index
    %get3A_1329 = vector.load %arg4[%get3A_1327, %get3A_1328] : memref<1x96xf32, #tpu.memory_space<vmem>>, vector<1x96xf32>
    %add3A_1330 = vector.broadcast %get3A_1329 : vector<1x96xf32> to vector<168x96xf32>
    %add3A_1331 = arith.addf %dot_general3A_1326, %add3A_1330 : vector<168x96xf32>
    %swap3A_1332 = arith.constant 0 : index
    %swap3A_1333 = arith.constant 27 : index
    %swap3A_1334 = arith.constant 0 : index
    %swap3A_1335 = arith.constant 0 : index
    %swap3A_1336 = vector.load %arg5[%swap3A_1332, %swap3A_1333, %swap3A_1334, %swap3A_1335] : memref<1x32x168x96xf32, #tpu.memory_space<vmem>>, vector<1x1x168x96xf32>
    %swap3A_1337 = vector.shape_cast %swap3A_1336 : vector<1x1x168x96xf32> to vector<168x96xf32>
    %swap3A_1338 = vector.shape_cast %add3A_1331 : vector<168x96xf32> to vector<1x1x168x96xf32>
    tpu.vector_store %arg5[%swap3A_1332, %swap3A_1333, %swap3A_1334, %swap3A_1335], %swap3A_1338 {strides = array<i32>} : memref<1x32x168x96xf32, #tpu.memory_space<vmem>>, vector<1x1x168x96xf32>,
    %get3A_1339 = arith.constant 0 : index
    %get3A_1340 = arith.constant 28 : index
    %get3A_1341 = arith.constant 0 : index
    %get3A_1342 = arith.constant 0 : index
    %get3A_1343 = vector.load %arg2[%get3A_1339, %get3A_1340, %get3A_1341, %get3A_1342] : memref<1x32x16x168xf32, #tpu.memory_space<vmem>>, vector<1x1x16x168xf32>
    %get3A_1344 = vector.shape_cast %get3A_1343 : vector<1x1x16x168xf32> to vector<16x168xf32>
    %get3A_1345 = arith.constant 448 : index
    %get3A_1346 = memref.load %arg1[%get3A_1345] : memref<512xi32, #tpu.memory_space<smem>>
    %get3A_1347 = arith.constant 0 : index
    %get3A_1348 = arith.index_cast %get3A_1346 : i32 to index
    %get3A_1349 = arith.constant 0 : index
    %get3A_1350 = arith.constant 0 : index
    %get3A_1351 = vector.load %arg2[%get3A_1347, %get3A_1348, %get3A_1349, %get3A_1350] : memref<1x32x16x168xf32, #tpu.memory_space<vmem>>, vector<1x1x16x168xf32>
    %get3A_1352 = vector.shape_cast %get3A_1351 : vector<1x1x16x168xf32> to vector<16x168xf32>
    %get3A_1353 = arith.constant 449 : index
    %get3A_1354 = memref.load %arg1[%get3A_1353] : memref<512xi32, #tpu.memory_space<smem>>
    %get3A_1355 = arith.constant 0 : index
    %get3A_1356 = arith.index_cast %get3A_1354 : i32 to index
    %get3A_1357 = arith.constant 0 : index
    %get3A_1358 = arith.constant 0 : index
    %get3A_1359 = vector.load %arg2[%get3A_1355, %get3A_1356, %get3A_1357, %get3A_1358] : memref<1x32x16x168xf32, #tpu.memory_space<vmem>>, vector<1x1x16x168xf32>
    %get3A_1360 = vector.shape_cast %get3A_1359 : vector<1x1x16x168xf32> to vector<16x168xf32>
    %get3A_1361 = arith.constant 450 : index
    %get3A_1362 = memref.load %arg1[%get3A_1361] : memref<512xi32, #tpu.memory_space<smem>>
    %get3A_1363 = arith.constant 0 : index
    %get3A_1364 = arith.index_cast %get3A_1362 : i32 to index
    %get3A_1365 = arith.constant 0 : index
    %get3A_1366 = arith.constant 0 : index
    %get3A_1367 = vector.load %arg2[%get3A_1363, %get3A_1364, %get3A_1365, %get3A_1366] : memref<1x32x16x168xf32, #tpu.memory_space<vmem>>, vector<1x1x16x168xf32>
    %get3A_1368 = vector.shape_cast %get3A_1367 : vector<1x1x16x168xf32> to vector<16x168xf32>
    %concatenate3A_1369 = tpu.concatenate %get3A_1344, %get3A_1352, %get3A_1360, %get3A_1368 in 0 : vector<16x168xf32>, vector<16x168xf32>, vector<16x168xf32>, vector<16x168xf32> -> vector<64x168xf32>
    %get3A_1370 = arith.constant 0 : index
    %get3A_1371 = arith.constant 0 : index
    %get3A_1372 = vector.load %arg3[%get3A_1370, %get3A_1371] : memref<96x64xf32, #tpu.memory_space<vmem>>, vector<96x64xf32>
    %dot_general3A_1373 = arith.constant dense<0.000000e+00> : vector<168x96xf32>
    %dot_general3A_1374 = tpu.matmul %concatenate3A_1369, %get3A_1372, %dot_general3A_1373 {dimension_numbers = #tpu.dot_dimension_numbers<[0], [1], [1], [0], [0, 1, 1, 0], [], []>, transpose_lhs_hint = false} : vector<64x168xf32>, vector<96x64xf32>, vector<168x96xf32> -> vector<168x96xf32>
    %get3A_1375 = arith.constant 0 : index
    %get3A_1376 = arith.constant 0 : index
    %get3A_1377 = vector.load %arg4[%get3A_1375, %get3A_1376] : memref<1x96xf32, #tpu.memory_space<vmem>>, vector<1x96xf32>
    %add3A_1378 = vector.broadcast %get3A_1377 : vector<1x96xf32> to vector<168x96xf32>
    %add3A_1379 = arith.addf %dot_general3A_1374, %add3A_1378 : vector<168x96xf32>
    %swap3A_1380 = arith.constant 0 : index
    %swap3A_1381 = arith.constant 28 : index
    %swap3A_1382 = arith.constant 0 : index
    %swap3A_1383 = arith.constant 0 : index
    %swap3A_1384 = vector.load %arg5[%swap3A_1380, %swap3A_1381, %swap3A_1382, %swap3A_1383] : memref<1x32x168x96xf32, #tpu.memory_space<vmem>>, vector<1x1x168x96xf32>
    %swap3A_1385 = vector.shape_cast %swap3A_1384 : vector<1x1x168x96xf32> to vector<168x96xf32>
    %swap3A_1386 = vector.shape_cast %add3A_1379 : vector<168x96xf32> to vector<1x1x168x96xf32>
    tpu.vector_store %arg5[%swap3A_1380, %swap3A_1381, %swap3A_1382, %swap3A_1383], %swap3A_1386 {strides = array<i32>} : memref<1x32x168x96xf32, #tpu.memory_space<vmem>>, vector<1x1x168x96xf32>,
    %get3A_1387 = arith.constant 0 : index
    %get3A_1388 = arith.constant 29 : index
    %get3A_1389 = arith.constant 0 : index
    %get3A_1390 = arith.constant 0 : index
    %get3A_1391 = vector.load %arg2[%get3A_1387, %get3A_1388, %get3A_1389, %get3A_1390] : memref<1x32x16x168xf32, #tpu.memory_space<vmem>>, vector<1x1x16x168xf32>
    %get3A_1392 = vector.shape_cast %get3A_1391 : vector<1x1x16x168xf32> to vector<16x168xf32>
    %get3A_1393 = arith.constant 464 : index
    %get3A_1394 = memref.load %arg1[%get3A_1393] : memref<512xi32, #tpu.memory_space<smem>>
    %get3A_1395 = arith.constant 0 : index
    %get3A_1396 = arith.index_cast %get3A_1394 : i32 to index
    %get3A_1397 = arith.constant 0 : index
    %get3A_1398 = arith.constant 0 : index
    %get3A_1399 = vector.load %arg2[%get3A_1395, %get3A_1396, %get3A_1397, %get3A_1398] : memref<1x32x16x168xf32, #tpu.memory_space<vmem>>, vector<1x1x16x168xf32>
    %get3A_1400 = vector.shape_cast %get3A_1399 : vector<1x1x16x168xf32> to vector<16x168xf32>
    %get3A_1401 = arith.constant 465 : index
    %get3A_1402 = memref.load %arg1[%get3A_1401] : memref<512xi32, #tpu.memory_space<smem>>
    %get3A_1403 = arith.constant 0 : index
    %get3A_1404 = arith.index_cast %get3A_1402 : i32 to index
    %get3A_1405 = arith.constant 0 : index
    %get3A_1406 = arith.constant 0 : index
    %get3A_1407 = vector.load %arg2[%get3A_1403, %get3A_1404, %get3A_1405, %get3A_1406] : memref<1x32x16x168xf32, #tpu.memory_space<vmem>>, vector<1x1x16x168xf32>
    %get3A_1408 = vector.shape_cast %get3A_1407 : vector<1x1x16x168xf32> to vector<16x168xf32>
    %get3A_1409 = arith.constant 466 : index
    %get3A_1410 = memref.load %arg1[%get3A_1409] : memref<512xi32, #tpu.memory_space<smem>>
    %get3A_1411 = arith.constant 0 : index
    %get3A_1412 = arith.index_cast %get3A_1410 : i32 to index
    %get3A_1413 = arith.constant 0 : index
    %get3A_1414 = arith.constant 0 : index
    %get3A_1415 = vector.load %arg2[%get3A_1411, %get3A_1412, %get3A_1413, %get3A_1414] : memref<1x32x16x168xf32, #tpu.memory_space<vmem>>, vector<1x1x16x168xf32>
    %get3A_1416 = vector.shape_cast %get3A_1415 : vector<1x1x16x168xf32> to vector<16x168xf32>
    %concatenate3A_1417 = tpu.concatenate %get3A_1392, %get3A_1400, %get3A_1408, %get3A_1416 in 0 : vector<16x168xf32>, vector<16x168xf32>, vector<16x168xf32>, vector<16x168xf32> -> vector<64x168xf32>
    %get3A_1418 = arith.constant 0 : index
    %get3A_1419 = arith.constant 0 : index
    %get3A_1420 = vector.load %arg3[%get3A_1418, %get3A_1419] : memref<96x64xf32, #tpu.memory_space<vmem>>, vector<96x64xf32>
    %dot_general3A_1421 = arith.constant dense<0.000000e+00> : vector<168x96xf32>
    %dot_general3A_1422 = tpu.matmul %concatenate3A_1417, %get3A_1420, %dot_general3A_1421 {dimension_numbers = #tpu.dot_dimension_numbers<[0], [1], [1], [0], [0, 1, 1, 0], [], []>, transpose_lhs_hint = false} : vector<64x168xf32>, vector<96x64xf32>, vector<168x96xf32> -> vector<168x96xf32>
    %get3A_1423 = arith.constant 0 : index
    %get3A_1424 = arith.constant 0 : index
    %get3A_1425 = vector.load %arg4[%get3A_1423, %get3A_1424] : memref<1x96xf32, #tpu.memory_space<vmem>>, vector<1x96xf32>
    %add3A_1426 = vector.broadcast %get3A_1425 : vector<1x96xf32> to vector<168x96xf32>
    %add3A_1427 = arith.addf %dot_general3A_1422, %add3A_1426 : vector<168x96xf32>
    %swap3A_1428 = arith.constant 0 : index
    %swap3A_1429 = arith.constant 29 : index
    %swap3A_1430 = arith.constant 0 : index
    %swap3A_1431 = arith.constant 0 : index
    %swap3A_1432 = vector.load %arg5[%swap3A_1428, %swap3A_1429, %swap3A_1430, %swap3A_1431] : memref<1x32x168x96xf32, #tpu.memory_space<vmem>>, vector<1x1x168x96xf32>
    %swap3A_1433 = vector.shape_cast %swap3A_1432 : vector<1x1x168x96xf32> to vector<168x96xf32>
    %swap3A_1434 = vector.shape_cast %add3A_1427 : vector<168x96xf32> to vector<1x1x168x96xf32>
    tpu.vector_store %arg5[%swap3A_1428, %swap3A_1429, %swap3A_1430, %swap3A_1431], %swap3A_1434 {strides = array<i32>} : memref<1x32x168x96xf32, #tpu.memory_space<vmem>>, vector<1x1x168x96xf32>,
    %get3A_1435 = arith.constant 0 : index
    %get3A_1436 = arith.constant 30 : index
    %get3A_1437 = arith.constant 0 : index
    %get3A_1438 = arith.constant 0 : index
    %get3A_1439 = vector.load %arg2[%get3A_1435, %get3A_1436, %get3A_1437, %get3A_1438] : memref<1x32x16x168xf32, #tpu.memory_space<vmem>>, vector<1x1x16x168xf32>
    %get3A_1440 = vector.shape_cast %get3A_1439 : vector<1x1x16x168xf32> to vector<16x168xf32>
    %get3A_1441 = arith.constant 480 : index
    %get3A_1442 = memref.load %arg1[%get3A_1441] : memref<512xi32, #tpu.memory_space<smem>>
    %get3A_1443 = arith.constant 0 : index
    %get3A_1444 = arith.index_cast %get3A_1442 : i32 to index
    %get3A_1445 = arith.constant 0 : index
    %get3A_1446 = arith.constant 0 : index
    %get3A_1447 = vector.load %arg2[%get3A_1443, %get3A_1444, %get3A_1445, %get3A_1446] : memref<1x32x16x168xf32, #tpu.memory_space<vmem>>, vector<1x1x16x168xf32>
    %get3A_1448 = vector.shape_cast %get3A_1447 : vector<1x1x16x168xf32> to vector<16x168xf32>
    %get3A_1449 = arith.constant 481 : index
    %get3A_1450 = memref.load %arg1[%get3A_1449] : memref<512xi32, #tpu.memory_space<smem>>
    %get3A_1451 = arith.constant 0 : index
    %get3A_1452 = arith.index_cast %get3A_1450 : i32 to index
    %get3A_1453 = arith.constant 0 : index
    %get3A_1454 = arith.constant 0 : index
    %get3A_1455 = vector.load %arg2[%get3A_1451, %get3A_1452, %get3A_1453, %get3A_1454] : memref<1x32x16x168xf32, #tpu.memory_space<vmem>>, vector<1x1x16x168xf32>
    %get3A_1456 = vector.shape_cast %get3A_1455 : vector<1x1x16x168xf32> to vector<16x168xf32>
    %get3A_1457 = arith.constant 482 : index
    %get3A_1458 = memref.load %arg1[%get3A_1457] : memref<512xi32, #tpu.memory_space<smem>>
    %get3A_1459 = arith.constant 0 : index
    %get3A_1460 = arith.index_cast %get3A_1458 : i32 to index
    %get3A_1461 = arith.constant 0 : index
    %get3A_1462 = arith.constant 0 : index
    %get3A_1463 = vector.load %arg2[%get3A_1459, %get3A_1460, %get3A_1461, %get3A_1462] : memref<1x32x16x168xf32, #tpu.memory_space<vmem>>, vector<1x1x16x168xf32>
    %get3A_1464 = vector.shape_cast %get3A_1463 : vector<1x1x16x168xf32> to vector<16x168xf32>
    %concatenate3A_1465 = tpu.concatenate %get3A_1440, %get3A_1448, %get3A_1456, %get3A_1464 in 0 : vector<16x168xf32>, vector<16x168xf32>, vector<16x168xf32>, vector<16x168xf32> -> vector<64x168xf32>
    %get3A_1466 = arith.constant 0 : index
    %get3A_1467 = arith.constant 0 : index
    %get3A_1468 = vector.load %arg3[%get3A_1466, %get3A_1467] : memref<96x64xf32, #tpu.memory_space<vmem>>, vector<96x64xf32>
    %dot_general3A_1469 = arith.constant dense<0.000000e+00> : vector<168x96xf32>
    %dot_general3A_1470 = tpu.matmul %concatenate3A_1465, %get3A_1468, %dot_general3A_1469 {dimension_numbers = #tpu.dot_dimension_numbers<[0], [1], [1], [0], [0, 1, 1, 0], [], []>, transpose_lhs_hint = false} : vector<64x168xf32>, vector<96x64xf32>, vector<168x96xf32> -> vector<168x96xf32>
    %get3A_1471 = arith.constant 0 : index
    %get3A_1472 = arith.constant 0 : index
    %get3A_1473 = vector.load %arg4[%get3A_1471, %get3A_1472] : memref<1x96xf32, #tpu.memory_space<vmem>>, vector<1x96xf32>
    %add3A_1474 = vector.broadcast %get3A_1473 : vector<1x96xf32> to vector<168x96xf32>
    %add3A_1475 = arith.addf %dot_general3A_1470, %add3A_1474 : vector<168x96xf32>
    %swap3A_1476 = arith.constant 0 : index
    %swap3A_1477 = arith.constant 30 : index
    %swap3A_1478 = arith.constant 0 : index
    %swap3A_1479 = arith.constant 0 : index
    %swap3A_1480 = vector.load %arg5[%swap3A_1476, %swap3A_1477, %swap3A_1478, %swap3A_1479] : memref<1x32x168x96xf32, #tpu.memory_space<vmem>>, vector<1x1x168x96xf32>
    %swap3A_1481 = vector.shape_cast %swap3A_1480 : vector<1x1x168x96xf32> to vector<168x96xf32>
    %swap3A_1482 = vector.shape_cast %add3A_1475 : vector<168x96xf32> to vector<1x1x168x96xf32>
    tpu.vector_store %arg5[%swap3A_1476, %swap3A_1477, %swap3A_1478, %swap3A_1479], %swap3A_1482 {strides = array<i32>} : memref<1x32x168x96xf32, #tpu.memory_space<vmem>>, vector<1x1x168x96xf32>,
    %get3A_1483 = arith.constant 0 : index
    %get3A_1484 = arith.constant 31 : index
    %get3A_1485 = arith.constant 0 : index
    %get3A_1486 = arith.constant 0 : index
    %get3A_1487 = vector.load %arg2[%get3A_1483, %get3A_1484, %get3A_1485, %get3A_1486] : memref<1x32x16x168xf32, #tpu.memory_space<vmem>>, vector<1x1x16x168xf32>
    %get3A_1488 = vector.shape_cast %get3A_1487 : vector<1x1x16x168xf32> to vector<16x168xf32>
    %get3A_1489 = arith.constant 496 : index
    %get3A_1490 = memref.load %arg1[%get3A_1489] : memref<512xi32, #tpu.memory_space<smem>>
    %get3A_1491 = arith.constant 0 : index
    %get3A_1492 = arith.index_cast %get3A_1490 : i32 to index
    %get3A_1493 = arith.constant 0 : index
    %get3A_1494 = arith.constant 0 : index
    %get3A_1495 = vector.load %arg2[%get3A_1491, %get3A_1492, %get3A_1493, %get3A_1494] : memref<1x32x16x168xf32, #tpu.memory_space<vmem>>, vector<1x1x16x168xf32>
    %get3A_1496 = vector.shape_cast %get3A_1495 : vector<1x1x16x168xf32> to vector<16x168xf32>
    %get3A_1497 = arith.constant 497 : index
    %get3A_1498 = memref.load %arg1[%get3A_1497] : memref<512xi32, #tpu.memory_space<smem>>
    %get3A_1499 = arith.constant 0 : index
    %get3A_1500 = arith.index_cast %get3A_1498 : i32 to index
    %get3A_1501 = arith.constant 0 : index
    %get3A_1502 = arith.constant 0 : index
    %get3A_1503 = vector.load %arg2[%get3A_1499, %get3A_1500, %get3A_1501, %get3A_1502] : memref<1x32x16x168xf32, #tpu.memory_space<vmem>>, vector<1x1x16x168xf32>
    %get3A_1504 = vector.shape_cast %get3A_1503 : vector<1x1x16x168xf32> to vector<16x168xf32>
    %get3A_1505 = arith.constant 498 : index
    %get3A_1506 = memref.load %arg1[%get3A_1505] : memref<512xi32, #tpu.memory_space<smem>>
    %get3A_1507 = arith.constant 0 : index
    %get3A_1508 = arith.index_cast %get3A_1506 : i32 to index
    %get3A_1509 = arith.constant 0 : index
    %get3A_1510 = arith.constant 0 : index
    %get3A_1511 = vector.load %arg2[%get3A_1507, %get3A_1508, %get3A_1509, %get3A_1510] : memref<1x32x16x168xf32, #tpu.memory_space<vmem>>, vector<1x1x16x168xf32>
    %get3A_1512 = vector.shape_cast %get3A_1511 : vector<1x1x16x168xf32> to vector<16x168xf32>
    %concatenate3A_1513 = tpu.concatenate %get3A_1488, %get3A_1496, %get3A_1504, %get3A_1512 in 0 : vector<16x168xf32>, vector<16x168xf32>, vector<16x168xf32>, vector<16x168xf32> -> vector<64x168xf32>
    %get3A_1514 = arith.constant 0 : index
    %get3A_1515 = arith.constant 0 : index
    %get3A_1516 = vector.load %arg3[%get3A_1514, %get3A_1515] : memref<96x64xf32, #tpu.memory_space<vmem>>, vector<96x64xf32>
    %dot_general3A_1517 = arith.constant dense<0.000000e+00> : vector<168x96xf32>
    %dot_general3A_1518 = tpu.matmul %concatenate3A_1513, %get3A_1516, %dot_general3A_1517 {dimension_numbers = #tpu.dot_dimension_numbers<[0], [1], [1], [0], [0, 1, 1, 0], [], []>, transpose_lhs_hint = false} : vector<64x168xf32>, vector<96x64xf32>, vector<168x96xf32> -> vector<168x96xf32>
    %get3A_1519 = arith.constant 0 : index
    %get3A_1520 = arith.constant 0 : index
    %get3A_1521 = vector.load %arg4[%get3A_1519, %get3A_1520] : memref<1x96xf32, #tpu.memory_space<vmem>>, vector<1x96xf32>
    %add3A_1522 = vector.broadcast %get3A_1521 : vector<1x96xf32> to vector<168x96xf32>
    %add3A_1523 = arith.addf %dot_general3A_1518, %add3A_1522 : vector<168x96xf32>
    %swap3A_1524 = arith.constant 0 : index
    %swap3A_1525 = arith.constant 31 : index
    %swap3A_1526 = arith.constant 0 : index
    %swap3A_1527 = arith.constant 0 : index
    %swap3A_1528 = vector.load %arg5[%swap3A_1524, %swap3A_1525, %swap3A_1526, %swap3A_1527] : memref<1x32x168x96xf32, #tpu.memory_space<vmem>>, vector<1x1x168x96xf32>
    %swap3A_1529 = vector.shape_cast %swap3A_1528 : vector<1x1x168x96xf32> to vector<168x96xf32>
    %swap3A_1530 = vector.shape_cast %add3A_1523 : vector<168x96xf32> to vector<1x1x168x96xf32>
    tpu.vector_store %arg5[%swap3A_1524, %swap3A_1525, %swap3A_1526, %swap3A_1527], %swap3A_1530 {strides = array<i32>} : memref<1x32x168x96xf32, #tpu.memory_space<vmem>>, vector<1x1x168x96xf32>,
    return
  }
  func.func @transform_0(%arg0: i32) -> i32 {
    %c0_i32 = arith.constant 0 : i32
    %c0_i32_0 = arith.constant 0 : i32
    return %c0_i32 : i32
  }
  func.func @transform_1(%arg0: i32) -> (i32, i32, i32, i32) {
    %c0_i32 = arith.constant 0 : i32
    %c0_i32_0 = arith.constant 0 : i32
    %c0_i32_1 = arith.constant 0 : i32
    %c0_i32_2 = arith.constant 0 : i32
    return %arg0, %c0_i32, %c0_i32_0, %c0_i32_1 : i32, i32, i32, i32
  }
  func.func @transform_2(%arg0: i32) -> (i32, i32) {
    %c0_i32 = arith.constant 0 : i32
    %c0_i32_0 = arith.constant 0 : i32
    %c0_i32_1 = arith.constant 0 : i32
    return %c0_i32, %c0_i32_0 : i32, i32
  }
  func.func @transform_3(%arg0: i32) -> (i32, i32) {
    %c0_i32 = arith.constant 0 : i32
    %c0_i32_0 = arith.constant 0 : i32
    %c0_i32_1 = arith.constant 0 : i32
    return %c0_i32, %c0_i32_0 : i32, i32
  }
  func.func @transform_4(%arg0: i32) -> (i32, i32, i32, i32) {
    %c0_i32 = arith.constant 0 : i32
    %c0_i32_0 = arith.constant 0 : i32
    %c0_i32_1 = arith.constant 0 : i32
    %c0_i32_2 = arith.constant 0 : i32
    return %arg0, %c0_i32, %c0_i32_0, %c0_i32_1 : i32, i32, i32, i32
  }
}

</mosaic_0001>

<sc_bundles>
// kernel: kernel.4.cloned.1.call-start
scs
__scs_entry_jumppad:
0x0: {  	(pc) =	sbr.rel $0x88, $3  }
0x1: {  	(tag) =	ssettag $0x0;
	lr =	simm.s32 $0x1  }
0x2: {  	[smem:$0x3F9B] =	sst lr;
	_ =	strace $0xD0000000  }
0x3: {  	_ = 	snop  }
0x4: {  	_ = 	snop  }
0x5: {  	_ = 	snop  }
0x6: {  	_ = 	snop  }
0x7: {  	_ = 	snop  }
__scs_overlays_trampoline_lowered:
0x8: {  	[smem:$0x3FAA] =	sst s0  }
0x9: {  	[smem:$0x3FAB] =	sst s1  }
0xa: {  	[smem:$0x3FAC] =	sst s2  }
0xb: {  	[smem:$0x3FAD] =	sst s3  }
0xc: {  	[smem:$0x3FAE] =	sst s4  }
0xd: {  	[smem:$0x3FAF] =	sst s5  }
0xe: {  	[smem:$0x3FB0] =	sst s6  }
0xf: {  	[smem:$0x3FB1] =	sst s7  }
0x10: {  	[smem:$0x3FB2] =	sst s8  }
0x11: {  	[smem:$0x3FB3] =	sst s9;
	s0 =	simm.s32 @!p0 $0x0  }
0x12: {  	s1 =	sld [smem:$0x3F99];
	s0 =	simm.s32 @p0 $0x1  }
0x13: {  	[smem:$0x3FB4] =	sst s0;
	s0 =	simm.s32 @!p1 $0x0  }
0x14: {  	s2 =	sld [smem:$0x3F98];
	s0 =	simm.s32 @p1 $0x1  }
0x15: {  	[smem:$0x3FB5] =	sst s0;
	s0 =	simm.s32 @!p2 $0x0  }
0x16: {  	s3 =	sld [smem:$0x3FDB];
	s0 =	simm.s32 @p2 $0x1  }
0x17: {  	s4 =	simm.s32 $0x1BF5;
	[smem:$0x3FB7] =	sst s0  }
0x18: {  	s0 =	sld [smem:$0x3F9A];
	_ =	swait.ge [sflag:s4], $0x0  }
0x19: {  	s7 =	sld [smem:$0x3F9B]  }
0x1a: {  	s8 =	sadd.s32 $0xFFFFE003, lr  }
0x1b: {  	s9 =	sadd.s32 $0xFFFFFEF7, lr;
	s5 =	simm.s32 $0xFFFFFFFF;
	p2 =	slt.u32 s8, $0xFFFFF086  }
0x1c: {  	p1 =	slt.u32 s9, $0xF7A;
	s5 =	simm.s32 @!p2 $0x0  }
0x1d: {  	s5 =	simm.s32 @p1 $0x1;
	p0 =	seq.s32 s7, s2  }
0x1e: {  	s7 =	smul.u32 @!p0 $0xF7A, s2;
	p2 =	seq.s32 @!p0 s5, $0x0  }
0x1f: {  	s9 =	smul.u32 $0xF7A, s1;
	s8 =	simm.s32 @!p0 $0x1BF5;
	p2 =	por !p2, p0  }
0x20: {  	[sflag:s8] =	ssyncset.s32 @!p0 $0xFFFFF086;
	s6 =	sadd.s32 @!p0 s3, s7;
	s7 =	simm.s32 @!p0 $0x108  }
0x21: {  	s3 =	sadd.s32 s3, s9;
	s6 =	sadd.s32 @!p0 $0x88, s6;
	s7 =	simm.s32 @p2 $0x1082  }
0x22: {  	[simem:s7], [sflag:s8] =	dma.local @!p0 [hbm:s6], $0xF7A  }
0x23: {  	s9 =	sor.u32 $0xD0000000, s2;
	s6 =	simm.s32 $0x108;
	_ =	swait.ge @!p0 [sflag:s8], $0x0  }
0x24: {  	s3 =	sadd.s32 $0x88, s3;
	s6 =	simm.s32 @!p1 $0x1082;
	[sflag:s4] =	ssyncset.s32 $0xFFFFF086  }
0x25: {  	[simem:s6], [sflag:s4] =	dma.local [hbm:s3], $0xF7A  }
0x26: {  	[smem:$0x3F9B] =	sst s1;
	(tag) =	ssettag s2;
	_ =	strace s9  }
0x27: {  	s1 =	sld [smem:$0x3FAB]  }
0x28: {  	s2 =	sld [smem:$0x3FAC]  }
0x29: {  	s4 =	sld [smem:$0x3FAE]  }
0x2a: {  	p0 =	seq.s32 s5, $0x0;
	s5 =	sld [smem:$0x3FAF]  }
0x2b: {  	s6 =	sld [smem:$0x3FB0]  }
0x2c: {  	s7 =	sld [smem:$0x3FB1]  }
0x2d: {  	s3 =	simm.s32 $0x108;
	s8 =	sld [smem:$0x3FB2]  }
0x2e: {  	s3 =	simm.s32 @!p0 $0x1082;
	s9 =	sld [smem:$0x3FB3]  }
0x2f: {  	lr =	sadd.s32 s0, s3;
	s0 =	sld [smem:$0x3FAA]  }
0x30: {  	s3 =	sld [smem:$0x3FAD]  }
0x31: {  	[smem:$0x3FB6] =	sst s10  }
0x32: {  	s10 =	sld [smem:$0x3FB4];
	_ =	sdelay $0x3  }
0x33: {  	p0 =	seq.s32 s10, $0x1;
	s10 =	sld [smem:$0x3FB6];
	_ =	sdelay $0x3  }
0x34: {  	[smem:$0x3FB6] =	sst s10  }
0x35: {  	s10 =	sld [smem:$0x3FB5];
	_ =	sdelay $0x3  }
0x36: {  	p1 =	seq.s32 s10, $0x1;
	s10 =	sld [smem:$0x3FB6];
	_ =	sdelay $0x3  }
0x37: {  	[smem:$0x3FB6] =	sst s10  }
0x38: {  	s10 =	sld [smem:$0x3FB7]  }
0x39: {  	_ = 	snop;
	(pc) =	sbr.ind lr, $3  }
0x3a: {  	_ = 	snop  }
0x3b: {  	_ = 	snop  }
0x3c: {  	p2 =	seq.s32 s10, $0x1;
	s10 =	sld [smem:$0x3FB6]  }
0x3d: {  	_ =	shalt  }
0x3e: {  	_ =	shalt  }
0x3f: {  	_ =	shalt  }
0x40: {  	_ =	shalt  }
0x41: {  	_ =	shalt  }
0x42: {  	_ =	shalt  }
0x43: {  	_ =	shalt  }
0x44: {  	_ =	shalt  }
0x45: {  	_ =	shalt  }
0x46: {  	_ =	shalt  }
0x47: {  	_ =	shalt  }
0x48: {  	_ =	shalt  }
0x49: {  	_ =	shalt  }
0x4a: {  	_ =	shalt  }
0x4b: {  	_ =	shalt  }
0x4c: {  	_ =	shalt  }
0x4d: {  	_ =	shalt  }
0x4e: {  	_ =	shalt  }
0x4f: {  	_ =	shalt  }
0x50: {  	_ =	shalt  }
0x51: {  	_ =	shalt  }
0x52: {  	_ =	shalt  }
0x53: {  	_ =	shalt  }
0x54: {  	_ =	shalt  }
0x55: {  	_ =	shalt  }
0x56: {  	_ =	shalt  }
0x57: {  	_ =	shalt  }
0x58: {  	_ =	shalt  }
0x59: {  	_ =	shalt  }
0x5a: {  	_ =	shalt  }
0x5b: {  	_ =	shalt  }
0x5c: {  	_ =	shalt  }
0x5d: {  	_ =	shalt  }
0x5e: {  	_ =	shalt  }
0x5f: {  	_ =	shalt  }
0x60: {  	_ =	shalt  }
0x61: {  	_ =	shalt  }
0x62: {  	_ =	shalt  }
0x63: {  	_ =	shalt  }
0x64: {  	_ =	shalt  }
0x65: {  	_ =	shalt  }
0x66: {  	_ =	shalt  }
0x67: {  	_ =	shalt  }
0x68: {  	_ =	shalt  }
0x69: {  	_ =	shalt  }
0x6a: {  	_ =	shalt  }
0x6b: {  	_ =	shalt  }
0x6c: {  	_ =	shalt  }
0x6d: {  	_ =	shalt  }
0x6e: {  	_ =	shalt  }
0x6f: {  	_ =	shalt  }
0x70: {  	_ =	shalt  }
0x71: {  	_ =	shalt  }
0x72: {  	_ =	shalt  }
0x73: {  	_ =	shalt  }
0x74: {  	_ =	shalt  }
0x75: {  	_ =	shalt  }
0x76: {  	_ =	shalt  }
0x77: {  	_ =	shalt  }
0x78: {  	_ =	shalt  }
0x79: {  	_ =	shalt  }
0x7a: {  	_ =	shalt  }
0x7b: {  	_ =	shalt  }
0x7c: {  	_ =	shalt  }
0x7d: {  	_ =	shalt  }
0x7e: {  	_ =	shalt  }
0x7f: {  	_ =	shalt  }
0x80: {  	_ =	shalt  }
0x81: {  	_ =	shalt  }
0x82: {  	_ =	shalt  }
0x83: {  	_ =	shalt  }
0x84: {  	_ =	shalt  }
0x85: {  	_ =	shalt  }
0x86: {  	_ =	shalt  }
0x87: {  	_ =	shalt  }
.Lfunc_end0:
.L_simem_size_0:
called_computation_lowered:
.L_overlay_start_0:
0x88: {  	s2 =	sld [smem:$0x3FD9]  }
0x89: {  	s3 =	sld [smem:$0x3FFE];
	_ =	sdelay $0x1  }
0x8a: {  	s1 =	srdreg.scid  }
0x8b: {  	s0 =	sand.u32 $0x1, s1  }
0x8c: {  	s16 =	sshll.u32 s0, $0xA;
	s2 =	sadd.s32 s3, s2  }
0x8d: {  	s2 =	sadd.s32 s2, s16  }
0x8e: {  	[smem:$0x3FC2] =	sst s2  }
0x8f: {  	_ = 	snop  }
0x90: {  	(tm) =	ssettm $0x1  }
0x91: {  	s17 =	sld [smem:$0x3FFB];
	_ =	sdelay $0x3  }
0x92: {  	_ =	strace s17  }
0x93: {  	s2 =	sld [smem:$0x3FFC];
	_ =	sdelay $0x3  }
0x94: {  	_ =	strace s2  }
0x95: {  	s2 =	sld [smem:$0x3FFD];
	_ =	sdelay $0x3  }
0x96: {  	_ =	strace s2  }
0x97: {  	_ =	strace $0x8FFFFFFF  }
0x98: {  	s18 =	sld [smem:$0x3FDB];
	_ =	sdelay $0x1  }
0x99: {  	s19 =	simm.s32 $_scs_section_size  }
0x9a: {  	s4 =	simm.s32 $_size__tile_overlayer_lowered;
	s5 =	simm.s32 $_tile_overlayer_lowered  }
0x9b: {  	s22 =	simm.s32 $0x1BFF;
	s21 =	sshll.u32 s5, $0x1;
	s2 =	sadd.s32 s19, s18  }
0x9c: {  	s6 =	simm.s32 $0x0;
	s20 =	sshll.u32 s4, $0x1;
	s4 =	sadd.s32 s21, s2  }
0x9d: {  	[timem:s6], [sflag:s22] =	dma.local [hbm:s4], s20  }
0x9e: {  	_ =	swait.ge [sflag:s22], s20  }
0x9f: {  	s3 =	ssub.s32 $0x0, s20;
	[sflag:s22] =	ssyncset.done $0x0  }
0xa0: {  	[sflag:s22] =	ssyncadd.s32 s3;
	_ =	sdelay $0x1  }
0xa1: {  	s23 =	simm.s32 $0x1B8B  }
0xa2: {  	_ =	swait.ge [sflag:s23], $0x1  }
0xa3: {  	[sflag:s23] =	ssyncset.done $0x0  }
0xa4: {  	s25 =	simm.s32 $0x1B8E;
	s24 =	sld [smem:$0x3FFE];
	[sflag:s23] =	ssyncadd.s32 $0xFFFFFFFF  }
0xa5: {  	s26 =	simm.s32 $execute0_lowered;
	[smem:$0x3FD2] =	sst s25  }
0xa6: {  	s4 =	sshll.u32 s26, $0x1;
	_ =	strace $0x80000046;
	[dreg:$0x1] =	wrdreg $0xFFFFFFFF  }
0xa7: {  	s28 =	simm.s32 $_size_execute0_lowered;
	s2 =	sadd.s32 s2, s4;
	[dreg:$0x0] =	wrdreg $0x0  }
0xa8: {  	s4 =	sshll.u32 s28, $0x1;
	[dreg:$0x2] =	wrdreg s2  }
0xa9: {  	[dreg:$0x3] =	wrdreg s4  }
0xaa: {  	[dreg:$0x4] =	wrdreg $0xC0  }
0xab: {  	_ =	task [dreg:s6], $0x5FFFF  }
0xac: {  	[dreg:$0x1] =	wrdreg $0xFFFFFFFF  }
0xad: {  	[dreg:$0x0] =	wrdreg $0x60  }
0xae: {  	[dreg:$0x2] =	wrdreg s24  }
0xaf: {  	[dreg:$0x3] =	wrdreg $0x9  }
0xb0: {  	_ =	task.clear_ibuf [dreg:s6], $0x4FFFF;
	_ =	strace $0x90000046  }
0xb1: {  	s29 =	simm.s32 $0x9;
	_ =	strace $0x80000048  }
0xb2: {  	_ =	swait.ge [sflag:s29], $0x1  }
0xb3: {  	[sflag:s29] =	ssyncadd.s32 $0xFFFFFFFF  }
0xb4: {  	_ =	strace $0x90000048  }
0xb5: {  	_ =	sfence  }
0xb6: {  	s30 =	sld [smem:$0x0];
	_ =	sdelay $0x2  }
0xb7: {  	s31 =	sshll.u32 s1, $0xD;
	s1 =	sshrl.u32 s1, $0x2  }
0xb8: {  	s3 =	sand.u32 $0x4000, s31;
	s1 =	sadd.s32 s1, s30  }
0xb9: {  	s0 =	sor.u32 s3, s0;
	s1 =	sshll.u32 s1, $0x11  }
0xba: {  	s0 =	sor.u32 s1, s0  }
0xbb: {  	s0 =	sadd.s32 $0x8F2B, s0  }
0xbc: {  	[sflag:s0] =	ssyncadd.remote.s32 $0x1  }
0xbd: {  	_ =	sfence.sel $0xFFFF  }
0xbe: {  	[dreg:$0x0] =	wrdreg $0xFFFFFFFF;
	(pc) =	sbr.abs _section_cstart, $3  }
0xbf: {  	[dreg:$0x1] =	wrdreg $0xFFFFFFFF  }
0xc0: {  	_ =	task.clear_ibuf [dreg:s6], $0x2FFFF;
	_ =	strace $0x9FFFFFFF  }
0xc1: {  	(tm) =	ssettm $0x7FFFFFFF  }
tec
execute0_lowered:
.L_overlay_start_1:
0x0: {  	(tag) =	ssettag $0x1  }
0x1: {  	s1 =	srdreg.scid;
	s0 =	stileid.u32  }
0x2: {  	v0 =	vimm.s32 $0xEFCDAB89;
	v1 =	vimm.s32 $0x67452301;
	s3 =	sand.u32 $0x1, s1;
	s31 =	sshll.u32 s0, $0x1  }
0x3: {  	s4 =	rddreg [dreg:$0x0];
	v0 =	vunpack.c.l.s4.s8 v0;
	v1 =	vunpack.c.l.s4.s8 v1;
	s5 =	sor.u32 s3, s31  }
0x4: {  	v2 =	vimm.s32 $0xDCFE98BA;
	s2 =	simm.s32 $0x0;
	s1 =	rddreg [dreg:$0x1];
	s6 =	smul.u32 $0xC, s5  }
0x5: {  	v2 =	vunpack.c.l.s4.s8 v2;
	[smem:$0x7FF] =	sst s2;
	s8 =	ssub.s32 $0x2, s3;
	v0 =	vunpack.c.0.s8.s32 v0;
	v1 =	vunpack.c.0.s8.s32 v1  }
0x6: {  	v3 =	vimm.s32 $0xBA98FEDC;
	v4 =	vimm.s32 $0x32107654;
	_ =	strace $0x80000047;
	s9 =	sshrl.u32 s8, $0x1;
	s7 =	sadd.s32 s6, s4  }
0x7: {  	s3 =	simm.s32 $0x1;
	s9 =	ssub.s32 s8, s9;
	v0 =	vcombine.low v1, v0;
	v1 =	vunpack.c.0.s8.s32 v2;
	v2 =	vimm.s32 $0x54761032;
	s6 =	sadd.s32 $0x800, s7  }
0x8: {  	v5 =	vimm.s32 $0xFEDCBA98;
	v6 =	vimm.s32 $0x76543210;
	v2 =	vunpack.c.l.s4.s8 v2;
	[tilespmem:s2], [sflag:$0x1] =	stream.linear.gather [hbm4b:s6+s2], $0x60, $0x38;
	[tilespmem:$0x180] =	vst v63  }
0x9: {  	vm2 =	vmmov $0x1;
	v3 =	vunpack.c.l.s4.s8 v3;
	v4 =	vunpack.c.l.s4.s8 v4;
	s9 =	smax.u32 s9, $0x1;
	_ =	swait.ge [sflag:s3], $0x60  }
0xa: {  	vm1 =	vcmask $0x30C;
	v5 =	vunpack.c.l.s4.s8 v5;
	s8 =	simm.s32 $0x80;
	p0 =	sne.s32 s9, $0x1;
	v2 =	vunpack.c.0.s8.s32 v2;
	[sflag:s3] =	ssyncset.done $0x0  }
.Ltmp0:
0xb: {  	v6 =	vunpack.c.l.s4.s8 v6;
	v7 =	vunpack.c.0.s8.s32 v3;
	v4 =	vunpack.c.0.s8.s32 v4;
	s7 =	sadd.s32 $0xA00, s7;
	[sflag:s3] =	ssyncadd.s32 $0xFFFFFFA0;
	(pc) =	sbr.rel @!p0 .LBB2_2-.Ltmp0, $4  }
0xc: {  	vm0 =	vcmask $0x70C;
	v5 =	vunpack.c.0.s8.s32 v5;
	v1 =	vcombine.low v2, v1;
	[tilespmem:s8], [sflag:$0x1] =	stream.linear.gather [hbm4b:s7+s2], $0x60, $0x38;
	[tilespmem:$0x180] =	vst v63  }
0xd: {  	s5 =	sshll.u32 s5, $0x1;
	v6 =	vunpack.c.0.s8.s32 v6;
	v3 =	vand.u32 $0xF, v0;
	v0 =	vcombine.low v4, v7;
	_ =	swait.ge [sflag:s3], $0x60  }
0xe: {  	s4 =	sadd.s32 s5, s4;
	v5 =	vand.u32 $0xF, v5;
	s5 =	simm.s32 $0x100;
	v4 =	vlaneseq.u32;
	v2 =	vand.u32 $0xF, v1;
	[sflag:s3] =	ssyncset.done $0x0  }
0xf: {  	s4 =	sadd.s32 $0xC00, s4;
	s9 =	sadd.s32 $0xFFFFFFFF, s9;
	v1 =	vand.u32 $0xF, v0;
	v0 =	vcombine.low v5, v6;
	v5 =	vor.u32 $0x10, v4;
	[sflag:s3] =	ssyncadd.s32 $0xFFFFFFA0  }
.LBB2_1:
0x10: {  	p0 =	sne.s32 s9, $0x1;
	s9 =	sadd.s32 $0xFFFFFFFF, s9;
	v6 =	vld [tilespmem:$0xA0]  }
0x11: {  	v7 =	vld [tilespmem:$0xB0]  }
0x12: {  	v8 =	vld [tilespmem:$0x80]  }
0x13: {  	v9 =	vld [tilespmem:$0x90]  }
0x14: {  	v10 =	vld [tilespmem:$0xD0]  }
0x15: {  	v6 =	vmul.f32 $1.442695020e+00, v6;
	v11 =	vld [tilespmem:$0xC0]  }
0x16: {  	v12 =	vld [tilespmem:$0x30];
	v7 =	vmul.f32 $1.442695020e+00, v7  }
0x17: {  	v13 =	vld [tilespmem:$0x10];
	v8 =	vmul.f32 $1.442695020e+00, v8;
	(erf) = vpow2.f32 v6  }
0x18: {  	v6 =	vld [tilespmem:$0x20];
	v9 =	vmul.f32 $1.442695020e+00, v9;
	(erf) = vpow2.f32 v7  }
0x19: {  	v7 =	vld [tilespmem:$0x0];
	v10 =	vmul.f32 $1.442695020e+00, v10;
	(erf) = vpow2.f32 v8  }
0x1a: {  	v8 =	vld [tilespmem:$0x50];
	v11 =	vmul.f32 $1.442695020e+00, v11;
	(erf) = vpow2.f32 v9  }
0x1b: {  	v9 =	vld [tilespmem:$0x40];
	(erf) = vpow2.f32 v10  }
0x1c: {  	v10 =	vmul.f32 v12, v13;
	(erf) = vpow2.f32 v11;
	_ =	sdelay $0x1  }
0x1d: {  	v6 =	vmul.f32 v6, v7;
	_ =	sdelay $0x1  }
0x1e: {  	v7 =	vadd.f32 v8, v10;
	v6 =	vadd.f32 v9, v6;
	v8 =	vpop (erf)  }
0x1f: {  	v9 =	vpop (erf)  }
0x20: {  	v8 =	vmul.f32 v8, v6;
	v9 =	vmul.f32 v9, v7;
	v10 =	vpop (erf)  }
0x21: {  	v11 =	vpop (erf)  }
0x22: {  	v10 =	vmul.f32 v10, v6;
	v11 =	vmul.f32 v11, v7;
	v12 =	vmax.f32 v8, v9;
	v13 =	vpop (erf)  }
0x23: {  	v14 =	vperm.xlane v12, v3;
	v15 =	vpop (erf)  }
0x24: {  	v7 =	vmul.f32 v13, v7;
	v16 =	vmax.f32 v10, v11;
	v6 =	vmul.f32 v15, v6  }
0x25: {  	v13 =	vperm.xlane v16, v3;
	v12 =	vmax.f32 v12, v14  }
0x26: {  	v14 =	vperm.xlane v12, v2;
	v15 =	vmax.f32 v6, v7  }
0x27: {  	v13 =	vmax.f32 v16, v13;
	v16 =	vperm.xlane v15, v3  }
0x28: {  	v17 =	vperm.xlane v13, v2;
	v12 =	vmax.f32 v12, v14  }
0x29: {  	v14 =	vperm.xlane v12, v1;
	v15 =	vmax.f32 v15, v16  }
0x2a: {  	v13 =	vmax.f32 v13, v17;
	v16 =	vperm.xlane v15, v2  }
0x2b: {  	v17 =	vperm.xlane v13, v1;
	v12 =	vmax.f32 v12, v14  }
0x2c: {  	v14 =	vperm.xlane v12, v0;
	v15 =	vmax.f32 v15, v16  }
0x2d: {  	v13 =	vmax.f32 v13, v17;
	v16 =	vperm.xlane v15, v1  }
0x2e: {  	v17 =	vperm.xlane v13, v0;
	v12 =	vmax.f32 v12, v14  }
0x2f: {  	vm3 =	veq.f32 v8, v12;
	vm4 =	veq.f32 v9, v12;
	v8 =	vmax.f32 v15, v16  }
0x30: {  	v9 =	vmax.f32 v13, v17;
	v12 =	vnsel vm4, $0x40, v5;
	v13 =	vperm.xlane v8, v0  }
0x31: {  	vm4 =	veq.f32 v10, v9;
	vm5 =	veq.f32 v11, v9;
	v9 =	vsel vm3, v4, v12  }
0x32: {  	v10 =	vnsel vm5, $0x40, v5;
	v11 =	vperm.xlane v9, v3;
	v8 =	vmax.f32 v8, v13  }
0x33: {  	v10 =	vsel vm4, v4, v10;
	vm3 =	veq.f32 v6, v8;
	vm4 =	veq.f32 v7, v8  }
0x34: {  	v6 =	vperm.xlane v10, v3;
	vm5 =	vlt.s32 v9, v11;
	v7 =	vnsel vm4, $0x40, v5  }
0x35: {  	v8 =	vsel vm5, v9, v11;
	v7 =	vsel vm3, v4, v7  }
0x36: {  	vm3 =	vlt.s32 v10, v6;
	v9 =	vperm.xlane v8, v2;
	v11 =	vperm.xlane v7, v3  }
0x37: {  	v6 =	vsel vm3, v10, v6  }
0x38: {  	v10 =	vperm.xlane v6, v2;
	vm3 =	vlt.s32 v8, v9;
	vm4 =	vlt.s32 v7, v11  }
0x39: {  	v8 =	vsel vm3, v8, v9;
	v7 =	vsel vm4, v7, v11  }
0x3a: {  	vm3 =	vlt.s32 v6, v10;
	v9 =	vperm.xlane v8, v1;
	v11 =	vperm.xlane v7, v2  }
0x3b: {  	v6 =	vsel vm3, v6, v10  }
0x3c: {  	v10 =	vperm.xlane v6, v1;
	vm3 =	vlt.s32 v8, v9;
	vm4 =	vlt.s32 v7, v11  }
0x3d: {  	v8 =	vsel vm3, v8, v9;
	v7 =	vsel vm4, v7, v11  }
0x3e: {  	vm3 =	vlt.s32 v6, v10;
	v9 =	vperm.xlane v8, v0;
	v11 =	vperm.xlane v7, v1  }
0x3f: {  	v6 =	vsel vm3, v6, v10  }
0x40: {  	v10 =	vperm.xlane v6, v0;
	vm3 =	vlt.s32 v8, v9;
	vm4 =	vlt.s32 v7, v11  }
0x41: {  	v8 =	vsel vm3, v8, v9;
	v7 =	vsel vm4, v7, v11  }
0x42: {  	vm3 =	vlt.s32 v6, v10;
	v9 =	vperm.xlane v7, v0  }
0x43: {  	v6 =	vsel vm3, v6, v10  }
0x44: {  	v6 =	vnsel vm2, $0x0, v6;
	vm3 =	vlt.s32 v7, v9  }
0x45: {  	v6 =	vsel vm1, v6, v8;
	v7 =	vsel vm3, v7, v9  }
0x46: {  	v6 =	vsel vm0, v6, v7  }
0x47: {  	[tilespmem:$0x100] =	vst v6  }
0x48: {  	[hbm4b:s4+s2] =	stream.linear.scatter [tilespmem:s5], [sflag:$0x1], $0x10, $0x38;
	[tilespmem:$0x180] =	vst v63  }
0x49: {  	_ =	swait.ge [sflag:s3], $0x10  }
0x4a: {  	[sflag:s3] =	ssyncset.done $0x0  }
0x4b: {  	[sflag:s3] =	ssyncadd.s32 $0xFFFFFFF0  }
0x4c: {  	[tilespmem:s2], [sflag:$0x1] =	stream.linear.gather [hbm4b:s6+s2], $0x60, $0x38;
	[tilespmem:$0x180] =	vst v63  }
0x4d: {  	_ =	swait.ge [sflag:s3], $0x60  }
0x4e: {  	[sflag:s3] =	ssyncset.done $0x0  }
.Ltmp1:
0x4f: {  	[sflag:s3] =	ssyncadd.s32 $0xFFFFFFA0;
	(pc) =	sbr.rel @p0 .LBB2_1-.Ltmp1, $4  }
0x50: {  	[tilespmem:s8], [sflag:$0x1] =	stream.linear.gather [hbm4b:s7+s2], $0x60, $0x38;
	[tilespmem:$0x180] =	vst v63  }
0x51: {  	_ =	swait.ge [sflag:s3], $0x60  }
0x52: {  	[sflag:s3] =	ssyncset.done $0x0  }
0x53: {  	[sflag:s3] =	ssyncadd.s32 $0xFFFFFFA0  }
.LBB2_2:
0x54: {  	v6 =	vld [tilespmem:$0xA0]  }
0x55: {  	v7 =	vld [tilespmem:$0xB0]  }
0x56: {  	v8 =	vld [tilespmem:$0x80]  }
0x57: {  	v9 =	vld [tilespmem:$0x90]  }
0x58: {  	v10 =	vld [tilespmem:$0xD0]  }
0x59: {  	v11 =	vld [tilespmem:$0xC0];
	v6 =	vmul.f32 $1.442695020e+00, v6  }
0x5a: {  	v12 =	vld [tilespmem:$0x30];
	v7 =	vmul.f32 $1.442695020e+00, v7  }
0x5b: {  	v13 =	vld [tilespmem:$0x10];
	v8 =	vmul.f32 $1.442695020e+00, v8;
	(erf) = vpow2.f32 v6  }
0x5c: {  	v22 =	vld [tilespmem:$0x20];
	v9 =	vmul.f32 $1.442695020e+00, v9;
	(erf) = vpow2.f32 v7  }
0x5d: {  	v23 =	vld [tilespmem:$0x0];
	v10 =	vmul.f32 $1.442695020e+00, v10;
	(erf) = vpow2.f32 v8  }
0x5e: {  	v24 =	vld [tilespmem:$0x50];
	v11 =	vmul.f32 $1.442695020e+00, v11;
	(erf) = vpow2.f32 v9  }
0x5f: {  	v25 =	vld [tilespmem:$0x40];
	(erf) = vpow2.f32 v10  }
0x60: {  	(erf) = vpow2.f32 v11;
	_ =	sdelay $0x1  }
0x61: {  	v26 =	vmul.f32 v12, v13;
	v6 =	vmul.f32 v22, v23;
	_ =	sdelay $0x1  }
0x62: {  	v27 =	vadd.f32 v24, v26;
	v6 =	vadd.f32 v25, v6;
	v28 =	vpop (erf)  }
0x63: {  	v29 =	vpop (erf)  }
0x64: {  	v8 =	vmul.f32 v28, v6;
	v9 =	vmul.f32 v29, v27;
	v30 =	vpop (erf)  }
0x65: {  	v31 =	vpop (erf)  }
0x66: {  	v10 =	vmul.f32 v30, v6;
	v11 =	vmul.f32 v31, v27;
	v32 =	vmax.f32 v8, v9;
	v33 =	vpop (erf)  }
0x67: {  	v14 =	vperm.xlane v32, v3;
	v15 =	vpop (erf)  }
0x68: {  	v7 =	vmul.f32 v33, v27;
	v16 =	vmax.f32 v10, v11;
	v6 =	vmul.f32 v15, v6  }
0x69: {  	v34 =	vperm.xlane v16, v3  }
0x6a: {  	v12 =	vmax.f32 v32, v14;
	v35 =	vmax.f32 v6, v7  }
0x6b: {  	v36 =	vperm.xlane v12, v2;
	v13 =	vmax.f32 v16, v34;
	v37 =	vperm.xlane v35, v3  }
0x6c: {  	v17 =	vperm.xlane v13, v2  }
0x6d: {  	v12 =	vmax.f32 v12, v36;
	v14 =	vmax.f32 v35, v37  }
0x6e: {  	v15 =	vperm.xlane v12, v1;
	v13 =	vmax.f32 v13, v17;
	v16 =	vperm.xlane v14, v2  }
0x6f: {  	v17 =	vperm.xlane v13, v1  }
0x70: {  	v12 =	vmax.f32 v12, v15;
	v14 =	vmax.f32 v14, v16  }
0x71: {  	v15 =	vperm.xlane v12, v0;
	v13 =	vmax.f32 v13, v17;
	v16 =	vperm.xlane v14, v1  }
0x72: {  	v17 =	vperm.xlane v13, v0  }
0x73: {  	v12 =	vmax.f32 v12, v15;
	v14 =	vmax.f32 v14, v16  }
0x74: {  	vm3 =	veq.f32 v9, v12;
	v38 =	vmax.f32 v13, v17;
	v39 =	vperm.xlane v14, v0  }
0x75: {  	vm4 =	veq.f32 v8, v12;
	v40 =	vnsel vm3, $0x40, v5;
	vm12 =	veq.f32 v11, v38  }
0x76: {  	vm5 =	veq.f32 v10, v38;
	v41 =	vnsel vm12, $0x40, v5;
	v42 =	vmax.f32 v14, v39  }
0x77: {  	v8 =	vsel vm4, v4, v40;
	v9 =	vsel vm5, v4, v41;
	vm13 =	veq.f32 v7, v42  }
0x78: {  	vm14 =	veq.f32 v6, v42;
	v43 =	vperm.xlane v9, v3;
	v44 =	vnsel vm13, $0x40, v5  }
0x79: {  	v45 =	vperm.xlane v8, v3;
	v46 =	vsel vm14, v4, v44  }
0x7a: {  	vm15 =	vlt.s32 v9, v43;
	v47 =	vperm.xlane v46, v3  }
0x7b: {  	vm8 =	vlt.s32 v8, v45;
	v48 =	vsel vm15, v9, v43  }
0x7c: {  	v49 =	vsel vm8, v8, v45;
	v50 =	vperm.xlane v48, v2;
	vm9 =	vlt.s32 v46, v47  }
0x7d: {  	v8 =	vperm.xlane v49, v2;
	v3 =	vsel vm9, v46, v47  }
0x7e: {  	vm10 =	vlt.s32 v48, v50;
	v51 =	vperm.xlane v3, v2  }
0x7f: {  	vm4 =	vlt.s32 v49, v8;
	v52 =	vsel vm10, v48, v50  }
0x80: {  	v53 =	vsel vm4, v49, v8;
	v54 =	vperm.xlane v52, v1;
	vm11 =	vlt.s32 v3, v51  }
0x81: {  	v55 =	vperm.xlane v53, v1;
	v2 =	vsel vm11, v3, v51  }
0x82: {  	vm12 =	vlt.s32 v52, v54;
	v56 =	vperm.xlane v2, v1  }
0x83: {  	vm4 =	vlt.s32 v53, v55;
	v57 =	vsel vm12, v52, v54  }
0x84: {  	v58 =	vsel vm4, v53, v55;
	v59 =	vperm.xlane v57, v0;
	vm13 =	vlt.s32 v2, v56  }
0x85: {  	v60 =	vperm.xlane v58, v0;
	v1 =	vsel vm13, v2, v56  }
0x86: {  	vm14 =	vlt.s32 v57, v59;
	v61 =	vperm.xlane v1, v0  }
0x87: {  	vm4 =	vlt.s32 v58, v60;
	v62 =	vsel vm14, v57, v59  }
0x88: {  	v63 =	vsel vm4, v58, v60;
	v2 =	vnsel vm2, $0x0, v62;
	vm15 =	vlt.s32 v1, v61  }
0x89: {  	v2 =	vsel vm1, v2, v63;
	v0 =	vsel vm15, v1, v61  }
0x8a: {  	v0 =	vsel vm0, v2, v0  }
0x8b: {  	[tilespmem:$0x100] =	vst v0  }
0x8c: {  	[hbm4b:s4+s2] =	stream.linear.scatter [tilespmem:s5], [sflag:$0x1], $0x10, $0x38;
	[tilespmem:$0x180] =	vst v63  }
0x8d: {  	_ =	swait.ge [sflag:s3], $0x10  }
0x8e: {  	[sflag:s3] =	ssyncset.done $0x0  }
0x8f: {  	[sflag:s3] =	ssyncadd.s32 $0xFFFFFFF0  }
0x90: {  	_ =	sfence.sel $0x180000  }
0x91: {  	[bflag:$0x0] =	sbarrier.arrive $0xFFFF  }
0x92: {  	p0 =	sne.s32 s0, $0x0;
	_ =	strace $0x90000047  }
0x93: {  	s0 =	sadd.s32 @!p0 $0x100000, s1;
	[bflag:$0x2] =	sbarrier.arrive $0xFFFF  }
0x94: {  	[sflag:s0] =	ssyncadd.tile.s32 @!p0 $0x1;
	_ =	shalt  }
.Lfunc_end2:
_tile_overlayer_lowered:
.L_overlay_start_2:
0x95: {  	(tag) =	ssettag $0x2  }
0x96: {  	s0 =	rddreg [dreg:$0x0];
	s2 =	stileid.u32  }
0x97: {  	s1 =	rddreg [dreg:$0x1];
	p0 =	sne.s32 s2, $0x0  }
0x98: {  	s3 =	rddreg [dreg:$0x2];
	[bflag:$0x3] =	sbarrier.arrive $0xFFFF;
	s2 =	simm.s32 @!p0 $0x1C01  }
0x99: {  	[timem:s3], [sflag:s2] =	dma.local @!p0 [hbm:s0], s1  }
0x9a: {  	s0 =	simm.s32 @!p0 $0x1  }
0x9b: {  	_ =	swait.ge @!p0 [sflag:s0], s1  }
0x9c: {  	s1 =	ssub.s32 @!p0 $0x0, s1;
	[sflag:s0] =	ssyncset.done @!p0 $0x0  }
0x9d: {  	[sflag:s0] =	ssyncadd.s32 @!p0 s1  }
0x9e: {  	[bflag:$0x3] =	sbarrier.arrive $0xFFFF  }
0x9f: {  	_ =	shalt  }

</sc_bundles>
